<compile_context>
chip_gen: v7x
topology: tpu7x:2x2x1
jax: 0.10.2.dev20260603
libtpu: 0.0.44.dev20260713+nightly
codegen_flags: <defaults>
</compile_context>

<pallas_src>
import functools

import jax
import jax.numpy as jnp
from jax import lax
from jax.experimental import pallas as pl
from jax.experimental.pallas import tpu as pltpu
from jax.experimental.pallas import tpu_sc as plsc

B, C, H, W = 4, 96, 48, 48
N = 1000
PH, PW = 7, 7
SCALE = 0.125
CH_HALF = C // 2
CPV = CH_HALF // 16
FEAT_WORDS = H * W * CH_HALF
NBOX = N // 4
BIN_WORDS = CH_HALF * PH * PW
OUT_WORDS = 2560

_GATHER_DNUMS = lax.GatherDimensionNumbers(
    offset_dims=(), collapsed_slice_dims=(0,), start_index_map=(0,))


def _lane(vec, p):
    idx = jnp.full((16, 1), p, jnp.int32)
    return lax.gather(vec, idx, _GATHER_DNUMS, (1,),
                      mode=lax.GatherScatterMode.PROMISE_IN_BOUNDS)


def _scalar(vec, p, iota):
    zero = jnp.zeros((16,), vec.dtype)
    return jnp.sum(jnp.where(iota == p, vec, zero))


def _sc_body(feat_hbm, bb_hbm, out_hbm, feat_v, bb_v, ay_v, wy_v, ax_v,
             wx_v, obuf, sem):
    wid = lax.axis_index("s") * 2 + lax.axis_index("c")
    b = wid >> 3
    ch = (wid >> 2) & 1
    n0 = (wid & 3) * NBOX

    pltpu.sync_copy(feat_hbm.at[pl.ds((b * 2 + ch) * FEAT_WORDS, FEAT_WORDS)],
                    feat_v)
    pltpu.sync_copy(bb_hbm.at[pl.ds(b * (N * 4) + n0 * 4, NBOX * 4)], bb_v)

    iota = lax.iota(jnp.int32, 16)
    half = iota & 1
    qf = ((iota >> 1).astype(jnp.float32)
          + half.astype(jnp.float32) * 0.5 + 0.25)
    a_pos = iota * 2
    gy_a = iota >> 2
    gx_b = iota & 3
    ch_off = [iota + 16 * cv for cv in range(CPV)]
    fzero = jnp.zeros((16,), jnp.float32)

    def axis_setup(lo, span, size, stride, idx_ref, w_ref):
        s = lo + span * qf
        valid = (s >= -1.0) & (s <= float(size))
        sc = jnp.clip(s, 0.0, float(size - 1))
        low_i = sc.astype(jnp.int32)
        frac = sc - low_i.astype(jnp.float32)
        high_i = jnp.minimum(low_i + 1, size - 1)
        vhalf = jnp.where(valid, jnp.full((16,), 0.5, jnp.float32), fzero)
        plsc.store_scatter(idx_ref, [a_pos], low_i * stride)
        plsc.store_scatter(idx_ref, [a_pos + 1], high_i * stride)
        plsc.store_scatter(w_ref, [a_pos], (1.0 - frac) * vhalf)
        plsc.store_scatter(w_ref, [a_pos + 1], frac * vhalf)

    def per_box(i, _):
        bbv = plsc.load_gather(bb_v, [i * 4 + gx_b])
        x1 = _scalar(bbv, 0, iota) * SCALE
        y1 = _scalar(bbv, 1, iota) * SCALE
        x2 = _scalar(bbv, 2, iota) * SCALE
        y2 = _scalar(bbv, 3, iota) * SCALE
        bin_w = jnp.maximum(x2 - x1, 1.0) * (1.0 / PW)
        bin_h = jnp.maximum(y2 - y1, 1.0) * (1.0 / PH)
        axis_setup(y1, bin_h, H, W * CH_HALF, ay_v, wy_v)
        axis_setup(x1, bin_w, W, CH_HALF, ax_v, wx_v)

        bufoff = (i & 1) * OUT_WORDS

        oco = ((b * 2 + ch) * N + n0 + i) * OUT_WORDS

        @pl.when(i >= 2)
        def _wait_prev():
            pltpu.make_async_copy(
                obuf.at[pl.ds(bufoff, OUT_WORDS)],
                out_hbm.at[pl.ds(oco, OUT_WORDS)], sem).wait()

        @plsc.parallel_loop(0, PH * PW, unroll=2)
        def per_bin(t):
            py4 = (t // PW) * 4
            px4 = (t % PW) * 4
            gy = plsc.load_gather(ay_v, [py4 + gy_a])
            wyv = plsc.load_gather(wy_v, [py4 + gy_a])
            gx = plsc.load_gather(ax_v, [px4 + gx_b])
            wxv = plsc.load_gather(wx_v, [px4 + gx_b])
            idx16 = gy + gx
            w16 = wyv * wxv
            acc = [fzero for _ in range(CPV)]
            for p in range(16):
                ip = idx16[p]
                wp = _lane(w16, p)
                for cv in range(CPV):
                    g = feat_v[pl.ds(ip + 16 * cv, 16)]
                    acc[cv] = acc[cv] + g * wp
            trow = t * CH_HALF + bufoff
            for cv in range(CPV):
                plsc.store_scatter(obuf, [ch_off[cv] + trow], acc[cv])

        pltpu.make_async_copy(
            obuf.at[pl.ds(bufoff, OUT_WORDS)],
            out_hbm.at[pl.ds(oco, OUT_WORDS)], sem).start()
        return _

    lax.fori_loop(0, NBOX, per_box, None)
    for j in range(2):
        pltpu.make_async_copy(
            obuf.at[pl.ds((j % 2) * OUT_WORDS, OUT_WORDS)],
            out_hbm.at[pl.ds((b * 2 + ch) * N * OUT_WORDS, OUT_WORDS)],
            sem).wait()


@jax.jit
def _roi_align_sc(feat, bb):
    mesh = plsc.VectorSubcoreMesh(core_axis_name="c", subcore_axis_name="s",
                                  num_cores=2, num_subcores=16)
    f = pl.kernel(
        _sc_body,
        out_type=jax.ShapeDtypeStruct((B * N * 2 * OUT_WORDS,), jnp.float32),
        mesh=mesh,
        compiler_params=pltpu.CompilerParams(needs_layout_passes=False),
        scratch_types=[
            pltpu.VMEM((FEAT_WORDS,), jnp.float32),
            pltpu.VMEM((NBOX * 4,), jnp.float32),
            pltpu.VMEM((32,), jnp.int32),
            pltpu.VMEM((32,), jnp.float32),
            pltpu.VMEM((32,), jnp.int32),
            pltpu.VMEM((32,), jnp.float32),
            pltpu.VMEM((2 * OUT_WORDS,), jnp.float32),
            pltpu.SemaphoreType.DMA,
        ],
    )
    return f(feat, bb)


_NB = 200


def _tc_relayout_body(in_ref, out_ref):
    nb = pl.program_id(2)
    x = in_ref[...].reshape(_NB, OUT_WORDS // 128, 128)
    eye = (lax.broadcasted_iota(jnp.int32, (_NB, N), 0) + nb * _NB
           == lax.broadcasted_iota(jnp.int32, (_NB, N), 1)
           ).astype(jnp.float32)
    y = lax.dot_general(x, eye, (((0,), (0,)), ((), ())),
                        preferred_element_type=jnp.float32)
    y = y.reshape(OUT_WORDS, N)[:BIN_WORDS].reshape(PH * PW, CH_HALF, N)

    @pl.when(nb == 0)
    def _init():
        out_ref[0, :, 0] = y

    @pl.when(nb != 0)
    def _acc():
        out_ref[0, :, 0] += y


@jax.jit
def _tc_relayout(out1d):
    f = pl.pallas_call(
        _tc_relayout_body,
        grid=(B, 2, N // _NB),
        in_specs=[pl.BlockSpec((_NB * OUT_WORDS // 128, 128),
                               lambda b, c, n: ((b * 2 + c) * (N // _NB)
                                                + n, 0))],
        out_specs=pl.BlockSpec((1, PH * PW, 1, CH_HALF, N),
                               lambda b, c, n: (b, 0, c, 0, 0)),
        out_shape=jax.ShapeDtypeStruct((B, PH * PW, 2, CH_HALF, N),
                                       jnp.float32),
    )
    return f(out1d.reshape(-1, 128))


def kernel(image_embedding, bboxes):
    feat = jnp.transpose(image_embedding, (0, 2, 3, 1))
    feat = feat.reshape(B, H, W, 2, CH_HALF).transpose(0, 3, 1, 2, 4)
    feat = feat.reshape(B * 2 * FEAT_WORDS)
    bb = bboxes.reshape(B * N * 4)
    out = _roi_align_sc(feat, bb)
    out5 = _tc_relayout(out).reshape(B, PH, PW, C, N)
    return jnp.transpose(out5, (0, 4, 3, 1, 2))

# --- scband reference (transcript-rebuilt; emitter-appended) ---
"""Pipeline reference for scband-ro-ialign-34591666602466 (READ-ONLY COPY).

The authoritative reference and input builder live on the scoring server;
editing this copy changes nothing except your own understanding.
"""

import jax, jax.numpy as jnp
import numpy as np

OUTPUT_SIZE = (7, 7)
SPATIAL_SCALE = 0.125
SAMPLING_RATIO = 2
IMG_SIZE = 384.0


def setup_inputs(seed: int = 0) -> dict:
    key = jax.random.key(seed)
    k1, k2 = jax.random.split(key)
    image_embedding = jax.random.normal(k1, (4, 96, 48, 48), dtype=jnp.float32)
    raw = jax.random.uniform(k2, (4, 1000, 4), dtype=jnp.float32) * IMG_SIZE
    x_lo = jnp.minimum(raw[..., 0], raw[..., 2])
    x_hi = jnp.maximum(raw[..., 0], raw[..., 2])
    y_lo = jnp.minimum(raw[..., 1], raw[..., 3])
    y_hi = jnp.maximum(raw[..., 1], raw[..., 3])
    bboxes = jnp.stack([x_lo, y_lo, x_hi, y_hi], axis=-1)
    return {"image_embedding": image_embedding, "bboxes": bboxes}


def _roi_align_single(feat, boxes):
    # feat: [C, H, W]; boxes: [N, 4] (xmin, ymin, xmax, ymax) in image coords.
    # Faithful port of torchvision.ops.roi_align with aligned=False.
    C, H, W = feat.shape
    ph, pw = OUTPUT_SIZE
    sr = SAMPLING_RATIO
    N = boxes.shape[0]
    x1 = boxes[:, 0] * SPATIAL_SCALE
    y1 = boxes[:, 1] * SPATIAL_SCALE
    x2 = boxes[:, 2] * SPATIAL_SCALE
    y2 = boxes[:, 3] * SPATIAL_SCALE
    roi_w = jnp.maximum(x2 - x1, 1.0)
    roi_h = jnp.maximum(y2 - y1, 1.0)
    bin_h = roi_h / ph
    bin_w = roi_w / pw
    iy = jnp.arange(sr, dtype=jnp.float32)
    ys = (y1[:, None, None]
          + jnp.arange(ph, dtype=jnp.float32)[None, :, None] * bin_h[:, None, None]
          + (iy[None, None, :] + 0.5) * bin_h[:, None, None] / sr)  # [N, ph, sr]
    xs = (x1[:, None, None]
          + jnp.arange(pw, dtype=jnp.float32)[None, :, None] * bin_w[:, None, None]
          + (iy[None, None, :] + 0.5) * bin_w[:, None, None] / sr)  # [N, pw, sr]
    yg = jnp.broadcast_to(ys[:, :, :, None, None], (N, ph, sr, pw, sr))
    xg = jnp.broadcast_to(xs[:, None, None, :, :], (N, ph, sr, pw, sr))
    y = yg.reshape(N, -1)
    x = xg.reshape(N, -1)
    valid = (y >= -1.0) & (y <= float(H)) & (x >= -1.0) & (x <= float(W))
    y = jnp.clip(y, 0.0, float(H - 1))
    x = jnp.clip(x, 0.0, float(W - 1))
    y_low = jnp.floor(y).astype(jnp.int32)
    x_low = jnp.floor(x).astype(jnp.int32)
    y_high = jnp.minimum(y_low + 1, H - 1)
    x_high = jnp.minimum(x_low + 1, W - 1)
    ly = y - y_low.astype(y.dtype)
    lx = x - x_low.astype(x.dtype)
    hy = 1.0 - ly
    hx = 1.0 - lx
    flat = feat.reshape(C, H * W)

    def g(yy, xx):
        idx = (yy * W + xx).reshape(-1)
        return jnp.take(flat, idx, axis=1).reshape(C, N, -1)

    v = (g(y_low, x_low) * (hy * hx)[None]
         + g(y_low, x_high) * (hy * lx)[None]
         + g(y_high, x_low) * (ly * hx)[None]
         + g(y_high, x_high) * (ly * lx)[None])
    v = v * valid[None].astype(feat.dtype)
    v = v.reshape(C, N, ph, sr, pw, sr).mean(axis=(3, 5))  # [C, N, ph, pw]
    return jnp.transpose(v, (1, 0, 2, 3))  # [N, C, ph, pw]


def reference(image_embedding, bboxes):
    # image_embedding: [B, C, H, W]; bboxes: [B, N, 4]
    # Returns [B, N, C, out_h, out_w], matching the per-image loop + stack of the torch module.
    outs = [_roi_align_single(image_embedding[b], bboxes[b])
            for b in range(image_embedding.shape[0])]
    return jnp.stack(outs, axis=0)

if __name__ == "__main__":
    import jax
    _d = setup_inputs()
    print(jax.jit(kernel)(*tuple(_d.values())))

</pallas_src>

<mosaic_0001>
#map = affine_map<(d0, d1) -> (0)>
module attributes {stable_mosaic.version = 14 : i64} {
  func.func @_sc_body(%arg0: i32, %arg1: i32, %arg2: memref<884736xf32, #tpu.memory_space<hbm>>, %arg3: memref<16000xf32, #tpu.memory_space<hbm>>, %arg4: memref<20480000xf32, #tpu.memory_space<hbm>>, %arg5: memref<110592xf32, #tpu.memory_space<vmem>>, %arg6: memref<1000xf32, #tpu.memory_space<vmem>>, %arg7: memref<32xi32, #tpu.memory_space<vmem>>, %arg8: memref<32xf32, #tpu.memory_space<vmem>>, %arg9: memref<32xi32, #tpu.memory_space<vmem>>, %arg10: memref<32xf32, #tpu.memory_space<vmem>>, %arg11: memref<5120xf32, #tpu.memory_space<vmem>>, %arg12: memref<!tpu.dma_semaphore, #tpu.memory_space<semaphore_mem>>) attributes {dimension_semantics = [#tpu.dimension_semantics<core_parallel>, #tpu.dimension_semantics<subcore_parallel>], iteration_bounds = array<i64: 2, 16>, scalar_prefetch = 0 : i64, scratch_operands = 8 : i64, tpu.core_type = #tpu.core_type<sc_vector_subcore>, window_params = [{transform_indices = #map}, {transform_indices = #map}, {transform_indices = #map}]} {
    %mul3A = arith.constant 2 : i32
    %mul3A_0 = arith.muli %arg1, %mul3A : i32
    %add3A = arith.addi %mul3A_0, %arg0 : i32
    %shift_right_arithmetic3A = arith.constant 3 : i32
    %shift_right_arithmetic3A_1 = arith.shrsi %add3A, %shift_right_arithmetic3A : i32
    %shift_right_arithmetic3A_2 = arith.constant 2 : i32
    %shift_right_arithmetic3A_3 = arith.shrsi %add3A, %shift_right_arithmetic3A_2 : i32
    %and3A = arith.constant 1 : i32
    %and3A_4 = arith.andi %shift_right_arithmetic3A_3, %and3A : i32
    %and3A_5 = arith.constant 3 : i32
    %and3A_6 = arith.andi %add3A, %and3A_5 : i32
    %mul3A_7 = arith.constant 250 : i32
    %mul3A_8 = arith.muli %and3A_6, %mul3A_7 : i32
    %mul3A_9 = arith.constant 2 : i32
    %mul3A_10 = arith.muli %shift_right_arithmetic3A_1, %mul3A_9 : i32
    %add3A_11 = arith.addi %mul3A_10, %and3A_4 : i32
    %mul3A_12 = arith.constant 110592 : i32
    %mul3A_13 = arith.muli %add3A_11, %mul3A_12 : i32
    "tpu.region"() ({
      %run_scoped3A = tpu.sem_alloc : memref<!tpu.dma_semaphore, #tpu.memory_space<semaphore_mem>>
      %dma_start3A = tpu.memref_slice %arg2[%mul3A_13] : memref<884736xf32, #tpu.memory_space<hbm>> -> memref<110592xf32, #tpu.memory_space<hbm>>
      %dma_start3A_81 = tpu.memref_slice %arg2[%mul3A_13] : memref<884736xf32, #tpu.memory_space<hbm>> -> memref<110592xf32, #tpu.memory_space<hbm>>
      tpu.enqueue_dma source(%dma_start3A_81 : memref<110592xf32, #tpu.memory_space<hbm>>) target(%arg5 : memref<110592xf32, #tpu.memory_space<vmem>>) target_semaphore(%run_scoped3A : memref<!tpu.dma_semaphore, #tpu.memory_space<semaphore_mem>>)
      %dma_wait3A_82 = tpu.memref_slice %arg2[%mul3A_13] : memref<884736xf32, #tpu.memory_space<hbm>> -> memref<110592xf32, #tpu.memory_space<hbm>>
      %dma_wait3A_83 = tpu.memref_slice %arg2[%mul3A_13] : memref<884736xf32, #tpu.memory_space<hbm>> -> memref<110592xf32, #tpu.memory_space<hbm>>
      tpu.wait_dma2 semaphore(%run_scoped3A : memref<!tpu.dma_semaphore, #tpu.memory_space<semaphore_mem>>) src(%dma_wait3A_83 : memref<110592xf32, #tpu.memory_space<hbm>>) dst(%arg5 : memref<110592xf32, #tpu.memory_space<vmem>>)
      tpu.yield
    }) : () -> ()
    %mul3A_14 = arith.constant 4000 : i32
    %mul3A_15 = arith.muli %shift_right_arithmetic3A_1, %mul3A_14 : i32
    %mul3A_16 = arith.constant 4 : i32
    %mul3A_17 = arith.muli %mul3A_8, %mul3A_16 : i32
    %add3A_18 = arith.addi %mul3A_15, %mul3A_17 : i32
    "tpu.region"() ({
      %run_scoped3A = tpu.sem_alloc : memref<!tpu.dma_semaphore, #tpu.memory_space<semaphore_mem>>
      %dma_start3A = tpu.memref_slice %arg3[%add3A_18] : memref<16000xf32, #tpu.memory_space<hbm>> -> memref<1000xf32, #tpu.memory_space<hbm>>
      %dma_start3A_81 = tpu.memref_slice %arg3[%add3A_18] : memref<16000xf32, #tpu.memory_space<hbm>> -> memref<1000xf32, #tpu.memory_space<hbm>>
      tpu.enqueue_dma source(%dma_start3A_81 : memref<1000xf32, #tpu.memory_space<hbm>>) target(%arg6 : memref<1000xf32, #tpu.memory_space<vmem>>) target_semaphore(%run_scoped3A : memref<!tpu.dma_semaphore, #tpu.memory_space<semaphore_mem>>)
      %dma_wait3A_82 = tpu.memref_slice %arg3[%add3A_18] : memref<16000xf32, #tpu.memory_space<hbm>> -> memref<1000xf32, #tpu.memory_space<hbm>>
      %dma_wait3A_83 = tpu.memref_slice %arg3[%add3A_18] : memref<16000xf32, #tpu.memory_space<hbm>> -> memref<1000xf32, #tpu.memory_space<hbm>>
      tpu.wait_dma2 semaphore(%run_scoped3A : memref<!tpu.dma_semaphore, #tpu.memory_space<semaphore_mem>>) src(%dma_wait3A_83 : memref<1000xf32, #tpu.memory_space<hbm>>) dst(%arg6 : memref<1000xf32, #tpu.memory_space<vmem>>)
      tpu.yield
    }) : () -> ()
    %iota3A = tpu.iota {dimensions = array<i32: 0>} : vector<16xi32>
    %and3A_19 = arith.constant 1 : i32
    %and3A_20 = vector.broadcast %and3A_19 : i32 to vector<16xi32>
    %and3A_21 = arith.andi %iota3A, %and3A_20 : vector<16xi32>
    %shift_right_arithmetic3A_22 = arith.constant 1 : i32
    %shift_right_arithmetic3A_23 = vector.broadcast %shift_right_arithmetic3A_22 : i32 to vector<16xi32>
    %shift_right_arithmetic3A_24 = arith.shrsi %iota3A, %shift_right_arithmetic3A_23 : vector<16xi32>
    %convert_element_type3A = arith.sitofp %shift_right_arithmetic3A_24 : vector<16xi32> to vector<16xf32>
    %convert_element_type3A_25 = arith.sitofp %and3A_21 : vector<16xi32> to vector<16xf32>
    %mul3A_26 = arith.constant 5.000000e-01 : f32
    %mul3A_27 = vector.broadcast %mul3A_26 : f32 to vector<16xf32>
    %mul3A_28 = arith.mulf %convert_element_type3A_25, %mul3A_27 : vector<16xf32>
    %add3A_29 = arith.addf %convert_element_type3A, %mul3A_28 : vector<16xf32>
    %add3A_30 = arith.constant 2.500000e-01 : f32
    %add3A_31 = vector.broadcast %add3A_30 : f32 to vector<16xf32>
    %add3A_32 = arith.addf %add3A_29, %add3A_31 : vector<16xf32>
    %mul3A_33 = arith.constant 2 : i32
    %mul3A_34 = vector.broadcast %mul3A_33 : i32 to vector<16xi32>
    %mul3A_35 = arith.muli %iota3A, %mul3A_34 : vector<16xi32>
    %shift_right_arithmetic3A_36 = arith.constant 2 : i32
    %shift_right_arithmetic3A_37 = vector.broadcast %shift_right_arithmetic3A_36 : i32 to vector<16xi32>
    %shift_right_arithmetic3A_38 = arith.shrsi %iota3A, %shift_right_arithmetic3A_37 : vector<16xi32>
    %and3A_39 = arith.constant 3 : i32
    %and3A_40 = vector.broadcast %and3A_39 : i32 to vector<16xi32>
    %and3A_41 = arith.andi %iota3A, %and3A_40 : vector<16xi32>
    %add3A_42 = arith.constant 0 : i32
    %add3A_43 = vector.broadcast %add3A_42 : i32 to vector<16xi32>
    %add3A_44 = arith.addi %iota3A, %add3A_43 : vector<16xi32>
    %add3A_45 = arith.constant 16 : i32
    %add3A_46 = vector.broadcast %add3A_45 : i32 to vector<16xi32>
    %add3A_47 = arith.addi %iota3A, %add3A_46 : vector<16xi32>
    %add3A_48 = arith.constant 32 : i32
    %add3A_49 = vector.broadcast %add3A_48 : i32 to vector<16xi32>
    %add3A_50 = arith.addi %iota3A, %add3A_49 : vector<16xi32>
    %broadcast_in_dim3A = arith.constant 0.000000e+00 : f32
    %broadcast_in_dim3A_51 = vector.broadcast %broadcast_in_dim3A : f32 to vector<16xf32>
    %scan3A = arith.constant 0 : i32
    %scan3A_52 = arith.constant 250 : i32
    %scan3A_53 = arith.addi %scan3A, %scan3A_52 : i32
    %scan3A_54 = arith.constant 1 : i32
    scf.for %scan3A_81 = %scan3A to %scan3A_53 step %scan3A_54  : i32 {
      %mul3A_82 = arith.constant 4 : i32
      %mul3A_83 = arith.muli %scan3A_81, %mul3A_82 : i32
      %add3A_84 = vector.broadcast %mul3A_83 : i32 to vector<16xi32>
      %add3A_85 = arith.addi %add3A_84, %and3A_41 : vector<16xi32>
      %gather3A = tpu.vector_load_idx %arg6[%add3A_85] : memref<1000xf32, #tpu.memory_space<vmem>>[vector<16xi32>], vector<16xf32>,
      %broadcast_in_dim3A_86 = arith.constant 0.000000e+00 : f32
      %broadcast_in_dim3A_87 = vector.broadcast %broadcast_in_dim3A_86 : f32 to vector<16xf32>
      %eq3A = arith.constant 0 : i32
      %eq3A_88 = vector.broadcast %eq3A : i32 to vector<16xi32>
      %eq3A_89 = arith.cmpi eq, %iota3A, %eq3A_88 : vector<16xi32>
      %select_n3A = arith.select %eq3A_89, %gather3A, %broadcast_in_dim3A_87 : vector<16xi1>, vector<16xf32>
      %reduce_sum3A = arith.constant true
      %reduce_sum3A_90 = vector.broadcast %reduce_sum3A : i1 to vector<16xi1>
      %reduce_sum3A_91 = tpu.scan <sum>, %select_n3A masked %reduce_sum3A_90 : vector<16xf32>, vector<16xi1> -> vector<16xf32>
      %reduce_sum3A_92 = vector.extract %reduce_sum3A_91[15] : f32 from vector<16xf32>
      %mul3A_93 = arith.constant 1.250000e-01 : f32
      %mul3A_94 = arith.mulf %reduce_sum3A_92, %mul3A_93 : f32
      %broadcast_in_dim3A_95 = arith.constant 0.000000e+00 : f32
      %broadcast_in_dim3A_96 = vector.broadcast %broadcast_in_dim3A_95 : f32 to vector<16xf32>
      %eq3A_97 = arith.constant 1 : i32
      %eq3A_98 = vector.broadcast %eq3A_97 : i32 to vector<16xi32>
      %eq3A_99 = arith.cmpi eq, %iota3A, %eq3A_98 : vector<16xi32>
      %select_n3A_100 = arith.select %eq3A_99, %gather3A, %broadcast_in_dim3A_96 : vector<16xi1>, vector<16xf32>
      %reduce_sum3A_101 = arith.constant true
      %reduce_sum3A_102 = vector.broadcast %reduce_sum3A_101 : i1 to vector<16xi1>
      %reduce_sum3A_103 = tpu.scan <sum>, %select_n3A_100 masked %reduce_sum3A_102 : vector<16xf32>, vector<16xi1> -> vector<16xf32>
      %reduce_sum3A_104 = vector.extract %reduce_sum3A_103[15] : f32 from vector<16xf32>
      %mul3A_105 = arith.constant 1.250000e-01 : f32
      %mul3A_106 = arith.mulf %reduce_sum3A_104, %mul3A_105 : f32
      %broadcast_in_dim3A_107 = arith.constant 0.000000e+00 : f32
      %broadcast_in_dim3A_108 = vector.broadcast %broadcast_in_dim3A_107 : f32 to vector<16xf32>
      %eq3A_109 = arith.constant 2 : i32
      %eq3A_110 = vector.broadcast %eq3A_109 : i32 to vector<16xi32>
      %eq3A_111 = arith.cmpi eq, %iota3A, %eq3A_110 : vector<16xi32>
      %select_n3A_112 = arith.select %eq3A_111, %gather3A, %broadcast_in_dim3A_108 : vector<16xi1>, vector<16xf32>
      %reduce_sum3A_113 = arith.constant true
      %reduce_sum3A_114 = vector.broadcast %reduce_sum3A_113 : i1 to vector<16xi1>
      %reduce_sum3A_115 = tpu.scan <sum>, %select_n3A_112 masked %reduce_sum3A_114 : vector<16xf32>, vector<16xi1> -> vector<16xf32>
      %reduce_sum3A_116 = vector.extract %reduce_sum3A_115[15] : f32 from vector<16xf32>
      %mul3A_117 = arith.constant 1.250000e-01 : f32
      %mul3A_118 = arith.mulf %reduce_sum3A_116, %mul3A_117 : f32
      %broadcast_in_dim3A_119 = arith.constant 0.000000e+00 : f32
      %broadcast_in_dim3A_120 = vector.broadcast %broadcast_in_dim3A_119 : f32 to vector<16xf32>
      %eq3A_121 = arith.constant 3 : i32
      %eq3A_122 = vector.broadcast %eq3A_121 : i32 to vector<16xi32>
      %eq3A_123 = arith.cmpi eq, %iota3A, %eq3A_122 : vector<16xi32>
      %select_n3A_124 = arith.select %eq3A_123, %gather3A, %broadcast_in_dim3A_120 : vector<16xi1>, vector<16xf32>
      %reduce_sum3A_125 = arith.constant true
      %reduce_sum3A_126 = vector.broadcast %reduce_sum3A_125 : i1 to vector<16xi1>
      %reduce_sum3A_127 = tpu.scan <sum>, %select_n3A_124 masked %reduce_sum3A_126 : vector<16xf32>, vector<16xi1> -> vector<16xf32>
      %reduce_sum3A_128 = vector.extract %reduce_sum3A_127[15] : f32 from vector<16xf32>
      %mul3A_129 = arith.constant 1.250000e-01 : f32
      %mul3A_130 = arith.mulf %reduce_sum3A_128, %mul3A_129 : f32
      %sub3A = arith.subf %mul3A_118, %mul3A_94 : f32
      %max3A = arith.constant 1.000000e+00 : f32
      %max3A_131 = arith.maximumf %sub3A, %max3A : f32
      %mul3A_132 = arith.constant 0.142857149 : f32
      %mul3A_133 = arith.mulf %max3A_131, %mul3A_132 : f32
      %sub3A_134 = arith.subf %mul3A_130, %mul3A_106 : f32
      %max3A_135 = arith.constant 1.000000e+00 : f32
      %max3A_136 = arith.maximumf %sub3A_134, %max3A_135 : f32
      %mul3A_137 = arith.constant 0.142857149 : f32
      %mul3A_138 = arith.mulf %max3A_136, %mul3A_137 : f32
      %mul3A_139 = vector.broadcast %mul3A_138 : f32 to vector<16xf32>
      %mul3A_140 = arith.mulf %mul3A_139, %add3A_32 : vector<16xf32>
      %add3A_141 = vector.broadcast %mul3A_106 : f32 to vector<16xf32>
      %add3A_142 = arith.addf %add3A_141, %mul3A_140 : vector<16xf32>
      %ge3A = arith.constant -1.000000e+00 : f32
      %ge3A_143 = vector.broadcast %ge3A : f32 to vector<16xf32>
      %ge3A_144 = arith.cmpf oge, %add3A_142, %ge3A_143 : vector<16xf32>
      %le3A = arith.constant 4.800000e+01 : f32
      %le3A_145 = vector.broadcast %le3A : f32 to vector<16xf32>
      %le3A_146 = arith.cmpf ole, %add3A_142, %le3A_145 : vector<16xf32>
      %and3A_147 = arith.andi %ge3A_144, %le3A_146 : vector<16xi1>
      %jit3A = arith.constant 0.000000e+00 : f32
      %jit3A_148 = arith.constant 4.700000e+01 : f32
      %max3A_149 = vector.broadcast %jit3A : f32 to vector<16xf32>
      %max3A_150 = arith.maximumf %max3A_149, %add3A_142 : vector<16xf32>
      %min3A = vector.broadcast %jit3A_148 : f32 to vector<16xf32>
      %min3A_151 = arith.minimumf %min3A, %max3A_150 : vector<16xf32>
      %convert_element_type3A_152 = arith.fptosi %min3A_151 : vector<16xf32> to vector<16xi32>
      %convert_element_type3A_153 = arith.sitofp %convert_element_type3A_152 : vector<16xi32> to vector<16xf32>
      %sub3A_154 = arith.subf %min3A_151, %convert_element_type3A_153 : vector<16xf32>
      %add3A_155 = arith.constant 1 : i32
      %add3A_156 = vector.broadcast %add3A_155 : i32 to vector<16xi32>
      %add3A_157 = arith.addi %convert_element_type3A_152, %add3A_156 : vector<16xi32>
      %min3A_158 = arith.constant 47 : i32
      %min3A_159 = vector.broadcast %min3A_158 : i32 to vector<16xi32>
      %min3A_160 = arith.minsi %add3A_157, %min3A_159 : vector<16xi32>
      %broadcast_in_dim3A_161 = arith.constant 5.000000e-01 : f32
      %broadcast_in_dim3A_162 = vector.broadcast %broadcast_in_dim3A_161 : f32 to vector<16xf32>
      %select_n3A_163 = arith.select %and3A_147, %broadcast_in_dim3A_162, %broadcast_in_dim3A_51 : vector<16xi1>, vector<16xf32>
      %mul3A_164 = arith.constant 2304 : i32
      %mul3A_165 = vector.broadcast %mul3A_164 : i32 to vector<16xi32>
      %mul3A_166 = arith.muli %convert_element_type3A_152, %mul3A_165 : vector<16xi32>
      tpu.vector_store_idx %arg7[%mul3A_35], %mul3A_166 : memref<32xi32, #tpu.memory_space<vmem>>[vector<16xi32>], vector<16xi32>,
      %add3A_167 = arith.constant 1 : i32
      %add3A_168 = vector.broadcast %add3A_167 : i32 to vector<16xi32>
      %add3A_169 = arith.addi %mul3A_35, %add3A_168 : vector<16xi32>
      %mul3A_170 = arith.constant 2304 : i32
      %mul3A_171 = vector.broadcast %mul3A_170 : i32 to vector<16xi32>
      %mul3A_172 = arith.muli %min3A_160, %mul3A_171 : vector<16xi32>
      tpu.vector_store_idx %arg7[%add3A_169], %mul3A_172 : memref<32xi32, #tpu.memory_space<vmem>>[vector<16xi32>], vector<16xi32>,
      %sub3A_173 = arith.constant 1.000000e+00 : f32
      %sub3A_174 = vector.broadcast %sub3A_173 : f32 to vector<16xf32>
      %sub3A_175 = arith.subf %sub3A_174, %sub3A_154 : vector<16xf32>
      %mul3A_176 = arith.mulf %sub3A_175, %select_n3A_163 : vector<16xf32>
      tpu.vector_store_idx %arg8[%mul3A_35], %mul3A_176 : memref<32xf32, #tpu.memory_space<vmem>>[vector<16xi32>], vector<16xf32>,
      %add3A_177 = arith.constant 1 : i32
      %add3A_178 = vector.broadcast %add3A_177 : i32 to vector<16xi32>
      %add3A_179 = arith.addi %mul3A_35, %add3A_178 : vector<16xi32>
      %mul3A_180 = arith.mulf %sub3A_154, %select_n3A_163 : vector<16xf32>
      tpu.vector_store_idx %arg8[%add3A_179], %mul3A_180 : memref<32xf32, #tpu.memory_space<vmem>>[vector<16xi32>], vector<16xf32>,
      %mul3A_181 = vector.broadcast %mul3A_133 : f32 to vector<16xf32>
      %mul3A_182 = arith.mulf %mul3A_181, %add3A_32 : vector<16xf32>
      %add3A_183 = vector.broadcast %mul3A_94 : f32 to vector<16xf32>
      %add3A_184 = arith.addf %add3A_183, %mul3A_182 : vector<16xf32>
      %ge3A_185 = arith.constant -1.000000e+00 : f32
      %ge3A_186 = vector.broadcast %ge3A_185 : f32 to vector<16xf32>
      %ge3A_187 = arith.cmpf oge, %add3A_184, %ge3A_186 : vector<16xf32>
      %le3A_188 = arith.constant 4.800000e+01 : f32
      %le3A_189 = vector.broadcast %le3A_188 : f32 to vector<16xf32>
      %le3A_190 = arith.cmpf ole, %add3A_184, %le3A_189 : vector<16xf32>
      %and3A_191 = arith.andi %ge3A_187, %le3A_190 : vector<16xi1>
      %jit3A_192 = arith.constant 0.000000e+00 : f32
      %jit3A_193 = arith.constant 4.700000e+01 : f32
      %max3A_194 = vector.broadcast %jit3A_192 : f32 to vector<16xf32>
      %max3A_195 = arith.maximumf %max3A_194, %add3A_184 : vector<16xf32>
      %min3A_196 = vector.broadcast %jit3A_193 : f32 to vector<16xf32>
      %min3A_197 = arith.minimumf %min3A_196, %max3A_195 : vector<16xf32>
      %convert_element_type3A_198 = arith.fptosi %min3A_197 : vector<16xf32> to vector<16xi32>
      %convert_element_type3A_199 = arith.sitofp %convert_element_type3A_198 : vector<16xi32> to vector<16xf32>
      %sub3A_200 = arith.subf %min3A_197, %convert_element_type3A_199 : vector<16xf32>
      %add3A_201 = arith.constant 1 : i32
      %add3A_202 = vector.broadcast %add3A_201 : i32 to vector<16xi32>
      %add3A_203 = arith.addi %convert_element_type3A_198, %add3A_202 : vector<16xi32>
      %min3A_204 = arith.constant 47 : i32
      %min3A_205 = vector.broadcast %min3A_204 : i32 to vector<16xi32>
      %min3A_206 = arith.minsi %add3A_203, %min3A_205 : vector<16xi32>
      %broadcast_in_dim3A_207 = arith.constant 5.000000e-01 : f32
      %broadcast_in_dim3A_208 = vector.broadcast %broadcast_in_dim3A_207 : f32 to vector<16xf32>
      %select_n3A_209 = arith.select %and3A_191, %broadcast_in_dim3A_208, %broadcast_in_dim3A_51 : vector<16xi1>, vector<16xf32>
      %mul3A_210 = arith.constant 48 : i32
      %mul3A_211 = vector.broadcast %mul3A_210 : i32 to vector<16xi32>
      %mul3A_212 = arith.muli %convert_element_type3A_198, %mul3A_211 : vector<16xi32>
      tpu.vector_store_idx %arg9[%mul3A_35], %mul3A_212 : memref<32xi32, #tpu.memory_space<vmem>>[vector<16xi32>], vector<16xi32>,
      %add3A_213 = arith.constant 1 : i32
      %add3A_214 = vector.broadcast %add3A_213 : i32 to vector<16xi32>
      %add3A_215 = arith.addi %mul3A_35, %add3A_214 : vector<16xi32>
      %mul3A_216 = arith.constant 48 : i32
      %mul3A_217 = vector.broadcast %mul3A_216 : i32 to vector<16xi32>
      %mul3A_218 = arith.muli %min3A_206, %mul3A_217 : vector<16xi32>
      tpu.vector_store_idx %arg9[%add3A_215], %mul3A_218 : memref<32xi32, #tpu.memory_space<vmem>>[vector<16xi32>], vector<16xi32>,
      %sub3A_219 = arith.constant 1.000000e+00 : f32
      %sub3A_220 = vector.broadcast %sub3A_219 : f32 to vector<16xf32>
      %sub3A_221 = arith.subf %sub3A_220, %sub3A_200 : vector<16xf32>
      %mul3A_222 = arith.mulf %sub3A_221, %select_n3A_209 : vector<16xf32>
      tpu.vector_store_idx %arg10[%mul3A_35], %mul3A_222 : memref<32xf32, #tpu.memory_space<vmem>>[vector<16xi32>], vector<16xf32>,
      %add3A_223 = arith.constant 1 : i32
      %add3A_224 = vector.broadcast %add3A_223 : i32 to vector<16xi32>
      %add3A_225 = arith.addi %mul3A_35, %add3A_224 : vector<16xi32>
      %mul3A_226 = arith.mulf %sub3A_200, %select_n3A_209 : vector<16xf32>
      tpu.vector_store_idx %arg10[%add3A_225], %mul3A_226 : memref<32xf32, #tpu.memory_space<vmem>>[vector<16xi32>], vector<16xf32>,
      %and3A_227 = arith.constant 1 : i32
      %and3A_228 = arith.andi %scan3A_81, %and3A_227 : i32
      %mul3A_229 = arith.constant 2560 : i32
      %mul3A_230 = arith.muli %and3A_228, %mul3A_229 : i32
      %mul3A_231 = arith.constant 2 : i32
      %mul3A_232 = arith.muli %shift_right_arithmetic3A_1, %mul3A_231 : i32
      %add3A_233 = arith.addi %mul3A_232, %and3A_4 : i32
      %mul3A_234 = arith.constant 1000 : i32
      %mul3A_235 = arith.muli %add3A_233, %mul3A_234 : i32
      %add3A_236 = arith.addi %mul3A_235, %mul3A_8 : i32
      %add3A_237 = arith.addi %add3A_236, %scan3A_81 : i32
      %mul3A_238 = arith.constant 2560 : i32
      %mul3A_239 = arith.muli %add3A_237, %mul3A_238 : i32
      %ge3A_240 = arith.constant 2 : i32
      %ge3A_241 = arith.cmpi sge, %scan3A_81, %ge3A_240 : i32
      %convert_element_type3A_242 = arith.extui %ge3A_241 : i1 to i32
      %cond3A = arith.constant 0 : i32
      %cond3A_243 = arith.cmpi ne, %convert_element_type3A_242, %cond3A : i32
      scf.if %cond3A_243 {
        %dma_wait3A_249 = tpu.memref_slice %arg11[%mul3A_230] : memref<5120xf32, #tpu.memory_space<vmem>> -> memref<2560xf32, #tpu.memory_space<vmem>>
        %dma_wait3A_250 = tpu.memref_slice %arg4[%mul3A_239] : memref<20480000xf32, #tpu.memory_space<hbm>> -> memref<2560xf32, #tpu.memory_space<hbm>>
        %dma_wait3A_251 = tpu.memref_slice %arg4[%mul3A_239] : memref<20480000xf32, #tpu.memory_space<hbm>> -> memref<2560xf32, #tpu.memory_space<hbm>>
        %dma_wait3A_252 = tpu.memref_slice %arg11[%mul3A_230] : memref<5120xf32, #tpu.memory_space<vmem>> -> memref<2560xf32, #tpu.memory_space<vmem>>
        tpu.wait_dma2 semaphore(%arg12 : memref<!tpu.dma_semaphore, #tpu.memory_space<semaphore_mem>>) src(%dma_wait3A_252 : memref<2560xf32, #tpu.memory_space<vmem>>) dst(%dma_wait3A_251 : memref<2560xf32, #tpu.memory_space<hbm>>)
      } else {
      }
      %parallel_loop3A = arith.constant 0 : i32
      %parallel_loop3A_244 = arith.constant 49 : i32
      %parallel_loop3A_245 = arith.constant 1 : i32
      scf.for %parallel_loop3A_249 = %parallel_loop3A to %parallel_loop3A_244 step %parallel_loop3A_245  : i32 {
        %parallel_loop3A_250 = arith.constant 7 : i32
        %parallel_loop3A_251 = arith.divsi %parallel_loop3A_249, %parallel_loop3A_250 : i32
        %parallel_loop3A_252 = arith.constant 0 : i32
        %parallel_loop3A_253 = arith.cmpi sgt, %parallel_loop3A_249, %parallel_loop3A_252 : i32
        %parallel_loop3A_254 = arith.extui %parallel_loop3A_253 : i1 to i32
        %parallel_loop3A_255 = arith.constant 0 : i32
        %parallel_loop3A_256 = arith.cmpi slt, %parallel_loop3A_249, %parallel_loop3A_255 : i32
        %parallel_loop3A_257 = arith.extui %parallel_loop3A_256 : i1 to i32
        %parallel_loop3A_258 = arith.subi %parallel_loop3A_254, %parallel_loop3A_257 : i32
        %parallel_loop3A_259 = arith.constant 0 : i32
        %parallel_loop3A_260 = arith.cmpi sgt, %parallel_loop3A_250, %parallel_loop3A_259 : i32
        %parallel_loop3A_261 = arith.extui %parallel_loop3A_260 : i1 to i32
        %parallel_loop3A_262 = arith.constant 0 : i32
        %parallel_loop3A_263 = arith.cmpi slt, %parallel_loop3A_250, %parallel_loop3A_262 : i32
        %parallel_loop3A_264 = arith.extui %parallel_loop3A_263 : i1 to i32
        %parallel_loop3A_265 = arith.subi %parallel_loop3A_261, %parallel_loop3A_264 : i32
        %parallel_loop3A_266 = arith.cmpi ne, %parallel_loop3A_258, %parallel_loop3A_265 : i32
        %parallel_loop3A_267 = arith.remsi %parallel_loop3A_249, %parallel_loop3A_250 : i32
        %parallel_loop3A_268 = arith.constant 0 : i32
        %parallel_loop3A_269 = arith.cmpi ne, %parallel_loop3A_267, %parallel_loop3A_268 : i32
        %parallel_loop3A_270 = arith.andi %parallel_loop3A_266, %parallel_loop3A_269 : i1
        %parallel_loop3A_271 = arith.constant 1 : i32
        %parallel_loop3A_272 = arith.subi %parallel_loop3A_251, %parallel_loop3A_271 : i32
        %parallel_loop3A_273 = arith.select %parallel_loop3A_270, %parallel_loop3A_272, %parallel_loop3A_251 : i32
        %parallel_loop3A_274 = arith.constant 4 : i32
        %parallel_loop3A_275 = arith.muli %parallel_loop3A_273, %parallel_loop3A_274 : i32
        %parallel_loop3A_276 = arith.constant 7 : i32
        %parallel_loop3A_277 = arith.constant 0 : i32
        %parallel_loop3A_278 = arith.cmpi eq, %parallel_loop3A_276, %parallel_loop3A_277 : i32
        %parallel_loop3A_279 = arith.constant 1 : i32
        %parallel_loop3A_280 = arith.select %parallel_loop3A_278, %parallel_loop3A_279, %parallel_loop3A_276 : i32
        %parallel_loop3A_281 = arith.remsi %parallel_loop3A_249, %parallel_loop3A_280 : i32
        %parallel_loop3A_282 = arith.constant 0 : i32
        %parallel_loop3A_283 = arith.cmpi ne, %parallel_loop3A_281, %parallel_loop3A_282 : i32
        %parallel_loop3A_284 = arith.constant 0 : i32
        %parallel_loop3A_285 = arith.cmpi slt, %parallel_loop3A_281, %parallel_loop3A_284 : i32
        %parallel_loop3A_286 = arith.constant 0 : i32
        %parallel_loop3A_287 = arith.cmpi slt, %parallel_loop3A_280, %parallel_loop3A_286 : i32
        %parallel_loop3A_288 = arith.xori %parallel_loop3A_285, %parallel_loop3A_287 : i1
        %parallel_loop3A_289 = arith.andi %parallel_loop3A_288, %parallel_loop3A_283 : i1
        %parallel_loop3A_290 = arith.addi %parallel_loop3A_281, %parallel_loop3A_280 : i32
        %parallel_loop3A_291 = arith.select %parallel_loop3A_289, %parallel_loop3A_290, %parallel_loop3A_281 : i32
        %parallel_loop3A_292 = arith.constant 4 : i32
        %parallel_loop3A_293 = arith.muli %parallel_loop3A_291, %parallel_loop3A_292 : i32
        %parallel_loop3A_294 = vector.broadcast %parallel_loop3A_275 : i32 to vector<16xi32>
        %parallel_loop3A_295 = arith.addi %parallel_loop3A_294, %shift_right_arithmetic3A_38 : vector<16xi32>
        %parallel_loop3A_296 = tpu.vector_load_idx %arg7[%parallel_loop3A_295] : memref<32xi32, #tpu.memory_space<vmem>>[vector<16xi32>], vector<16xi32>,
        %parallel_loop3A_297 = vector.broadcast %parallel_loop3A_275 : i32 to vector<16xi32>
        %parallel_loop3A_298 = arith.addi %parallel_loop3A_297, %shift_right_arithmetic3A_38 : vector<16xi32>
        %parallel_loop3A_299 = tpu.vector_load_idx %arg8[%parallel_loop3A_298] : memref<32xf32, #tpu.memory_space<vmem>>[vector<16xi32>], vector<16xf32>,
        %parallel_loop3A_300 = vector.broadcast %parallel_loop3A_293 : i32 to vector<16xi32>
        %parallel_loop3A_301 = arith.addi %parallel_loop3A_300, %and3A_41 : vector<16xi32>
        %parallel_loop3A_302 = tpu.vector_load_idx %arg9[%parallel_loop3A_301] : memref<32xi32, #tpu.memory_space<vmem>>[vector<16xi32>], vector<16xi32>,
        %parallel_loop3A_303 = vector.broadcast %parallel_loop3A_293 : i32 to vector<16xi32>
        %parallel_loop3A_304 = arith.addi %parallel_loop3A_303, %and3A_41 : vector<16xi32>
        %parallel_loop3A_305 = tpu.vector_load_idx %arg10[%parallel_loop3A_304] : memref<32xf32, #tpu.memory_space<vmem>>[vector<16xi32>], vector<16xf32>,
        %parallel_loop3A_306 = arith.addi %parallel_loop3A_296, %parallel_loop3A_302 : vector<16xi32>
        %parallel_loop3A_307 = arith.mulf %parallel_loop3A_299, %parallel_loop3A_305 : vector<16xf32>
        %parallel_loop3A_308 = vector.extract_strided_slice %parallel_loop3A_306 {offsets = [0], sizes = [1], strides = [1]} : vector<16xi32> to vector<1xi32>
        %parallel_loop3A_309 = vector.extract %parallel_loop3A_308[0] : i32 from vector<1xi32>
        %parallel_loop3A_310 = arith.constant 0 : i32
        %parallel_loop3A_311 = vector.broadcast %parallel_loop3A_310 : i32 to vector<16x1xi32>
        %parallel_loop3A_312 = vector.shape_cast %parallel_loop3A_311 : vector<16x1xi32> to vector<16xi32>
        %parallel_loop3A_313 = tpu.dynamic_gather %parallel_loop3A_307[%parallel_loop3A_312] in [0] : vector<16xf32>, vector<16xi32> -> vector<16xf32>
        %parallel_loop3A_314 = arith.constant 0 : i32
        %parallel_loop3A_315 = arith.addi %parallel_loop3A_309, %parallel_loop3A_314 : i32
        %parallel_loop3A_316 = arith.index_cast %parallel_loop3A_315 : i32 to index
        %parallel_loop3A_317 = tpu.vector_load %arg5[%parallel_loop3A_316] {strides = array<i32>} : memref<110592xf32, #tpu.memory_space<vmem>>, vector<16xf32>,
        %parallel_loop3A_318 = arith.mulf %parallel_loop3A_317, %parallel_loop3A_313 : vector<16xf32>
        %parallel_loop3A_319 = arith.addf %broadcast_in_dim3A_51, %parallel_loop3A_318 : vector<16xf32>
        %parallel_loop3A_320 = arith.constant 16 : i32
        %parallel_loop3A_321 = arith.addi %parallel_loop3A_309, %parallel_loop3A_320 : i32
        %parallel_loop3A_322 = arith.index_cast %parallel_loop3A_321 : i32 to index
        %parallel_loop3A_323 = tpu.vector_load %arg5[%parallel_loop3A_322] {strides = array<i32>} : memref<110592xf32, #tpu.memory_space<vmem>>, vector<16xf32>,
        %parallel_loop3A_324 = arith.mulf %parallel_loop3A_323, %parallel_loop3A_313 : vector<16xf32>
        %parallel_loop3A_325 = arith.addf %broadcast_in_dim3A_51, %parallel_loop3A_324 : vector<16xf32>
        %parallel_loop3A_326 = arith.constant 32 : i32
        %parallel_loop3A_327 = arith.addi %parallel_loop3A_309, %parallel_loop3A_326 : i32
        %parallel_loop3A_328 = arith.index_cast %parallel_loop3A_327 : i32 to index
        %parallel_loop3A_329 = tpu.vector_load %arg5[%parallel_loop3A_328] {strides = array<i32>} : memref<110592xf32, #tpu.memory_space<vmem>>, vector<16xf32>,
        %parallel_loop3A_330 = arith.mulf %parallel_loop3A_329, %parallel_loop3A_313 : vector<16xf32>
        %parallel_loop3A_331 = arith.addf %broadcast_in_dim3A_51, %parallel_loop3A_330 : vector<16xf32>
        %parallel_loop3A_332 = vector.extract_strided_slice %parallel_loop3A_306 {offsets = [1], sizes = [1], strides = [1]} : vector<16xi32> to vector<1xi32>
        %parallel_loop3A_333 = vector.extract %parallel_loop3A_332[0] : i32 from vector<1xi32>
        %parallel_loop3A_334 = arith.constant 1 : i32
        %parallel_loop3A_335 = vector.broadcast %parallel_loop3A_334 : i32 to vector<16x1xi32>
        %parallel_loop3A_336 = vector.shape_cast %parallel_loop3A_335 : vector<16x1xi32> to vector<16xi32>
        %parallel_loop3A_337 = tpu.dynamic_gather %parallel_loop3A_307[%parallel_loop3A_336] in [0] : vector<16xf32>, vector<16xi32> -> vector<16xf32>
        %parallel_loop3A_338 = arith.constant 0 : i32
        %parallel_loop3A_339 = arith.addi %parallel_loop3A_333, %parallel_loop3A_338 : i32
        %parallel_loop3A_340 = arith.index_cast %parallel_loop3A_339 : i32 to index
        %parallel_loop3A_341 = tpu.vector_load %arg5[%parallel_loop3A_340] {strides = array<i32>} : memref<110592xf32, #tpu.memory_space<vmem>>, vector<16xf32>,
        %parallel_loop3A_342 = arith.mulf %parallel_loop3A_341, %parallel_loop3A_337 : vector<16xf32>
        %parallel_loop3A_343 = arith.addf %parallel_loop3A_319, %parallel_loop3A_342 : vector<16xf32>
        %parallel_loop3A_344 = arith.constant 16 : i32
        %parallel_loop3A_345 = arith.addi %parallel_loop3A_333, %parallel_loop3A_344 : i32
        %parallel_loop3A_346 = arith.index_cast %parallel_loop3A_345 : i32 to index
        %parallel_loop3A_347 = tpu.vector_load %arg5[%parallel_loop3A_346] {strides = array<i32>} : memref<110592xf32, #tpu.memory_space<vmem>>, vector<16xf32>,
        %parallel_loop3A_348 = arith.mulf %parallel_loop3A_347, %parallel_loop3A_337 : vector<16xf32>
        %parallel_loop3A_349 = arith.addf %parallel_loop3A_325, %parallel_loop3A_348 : vector<16xf32>
        %parallel_loop3A_350 = arith.constant 32 : i32
        %parallel_loop3A_351 = arith.addi %parallel_loop3A_333, %parallel_loop3A_350 : i32
        %parallel_loop3A_352 = arith.index_cast %parallel_loop3A_351 : i32 to index
        %parallel_loop3A_353 = tpu.vector_load %arg5[%parallel_loop3A_352] {strides = array<i32>} : memref<110592xf32, #tpu.memory_space<vmem>>, vector<16xf32>,
        %parallel_loop3A_354 = arith.mulf %parallel_loop3A_353, %parallel_loop3A_337 : vector<16xf32>
        %parallel_loop3A_355 = arith.addf %parallel_loop3A_331, %parallel_loop3A_354 : vector<16xf32>
        %parallel_loop3A_356 = vector.extract_strided_slice %parallel_loop3A_306 {offsets = [2], sizes = [1], strides = [1]} : vector<16xi32> to vector<1xi32>
        %parallel_loop3A_357 = vector.extract %parallel_loop3A_356[0] : i32 from vector<1xi32>
        %parallel_loop3A_358 = arith.constant 2 : i32
        %parallel_loop3A_359 = vector.broadcast %parallel_loop3A_358 : i32 to vector<16x1xi32>
        %parallel_loop3A_360 = vector.shape_cast %parallel_loop3A_359 : vector<16x1xi32> to vector<16xi32>
        %parallel_loop3A_361 = tpu.dynamic_gather %parallel_loop3A_307[%parallel_loop3A_360] in [0] : vector<16xf32>, vector<16xi32> -> vector<16xf32>
        %parallel_loop3A_362 = arith.constant 0 : i32
        %parallel_loop3A_363 = arith.addi %parallel_loop3A_357, %parallel_loop3A_362 : i32
        %parallel_loop3A_364 = arith.index_cast %parallel_loop3A_363 : i32 to index
        %parallel_loop3A_365 = tpu.vector_load %arg5[%parallel_loop3A_364] {strides = array<i32>} : memref<110592xf32, #tpu.memory_space<vmem>>, vector<16xf32>,
        %parallel_loop3A_366 = arith.mulf %parallel_loop3A_365, %parallel_loop3A_361 : vector<16xf32>
        %parallel_loop3A_367 = arith.addf %parallel_loop3A_343, %parallel_loop3A_366 : vector<16xf32>
        %parallel_loop3A_368 = arith.constant 16 : i32
        %parallel_loop3A_369 = arith.addi %parallel_loop3A_357, %parallel_loop3A_368 : i32
        %parallel_loop3A_370 = arith.index_cast %parallel_loop3A_369 : i32 to index
        %parallel_loop3A_371 = tpu.vector_load %arg5[%parallel_loop3A_370] {strides = array<i32>} : memref<110592xf32, #tpu.memory_space<vmem>>, vector<16xf32>,
        %parallel_loop3A_372 = arith.mulf %parallel_loop3A_371, %parallel_loop3A_361 : vector<16xf32>
        %parallel_loop3A_373 = arith.addf %parallel_loop3A_349, %parallel_loop3A_372 : vector<16xf32>
        %parallel_loop3A_374 = arith.constant 32 : i32
        %parallel_loop3A_375 = arith.addi %parallel_loop3A_357, %parallel_loop3A_374 : i32
        %parallel_loop3A_376 = arith.index_cast %parallel_loop3A_375 : i32 to index
        %parallel_loop3A_377 = tpu.vector_load %arg5[%parallel_loop3A_376] {strides = array<i32>} : memref<110592xf32, #tpu.memory_space<vmem>>, vector<16xf32>,
        %parallel_loop3A_378 = arith.mulf %parallel_loop3A_377, %parallel_loop3A_361 : vector<16xf32>
        %parallel_loop3A_379 = arith.addf %parallel_loop3A_355, %parallel_loop3A_378 : vector<16xf32>
        %parallel_loop3A_380 = vector.extract_strided_slice %parallel_loop3A_306 {offsets = [3], sizes = [1], strides = [1]} : vector<16xi32> to vector<1xi32>
        %parallel_loop3A_381 = vector.extract %parallel_loop3A_380[0] : i32 from vector<1xi32>
        %parallel_loop3A_382 = arith.constant 3 : i32
        %parallel_loop3A_383 = vector.broadcast %parallel_loop3A_382 : i32 to vector<16x1xi32>
        %parallel_loop3A_384 = vector.shape_cast %parallel_loop3A_383 : vector<16x1xi32> to vector<16xi32>
        %parallel_loop3A_385 = tpu.dynamic_gather %parallel_loop3A_307[%parallel_loop3A_384] in [0] : vector<16xf32>, vector<16xi32> -> vector<16xf32>
        %parallel_loop3A_386 = arith.constant 0 : i32
        %parallel_loop3A_387 = arith.addi %parallel_loop3A_381, %parallel_loop3A_386 : i32
        %parallel_loop3A_388 = arith.index_cast %parallel_loop3A_387 : i32 to index
        %parallel_loop3A_389 = tpu.vector_load %arg5[%parallel_loop3A_388] {strides = array<i32>} : memref<110592xf32, #tpu.memory_space<vmem>>, vector<16xf32>,
        %parallel_loop3A_390 = arith.mulf %parallel_loop3A_389, %parallel_loop3A_385 : vector<16xf32>
        %parallel_loop3A_391 = arith.addf %parallel_loop3A_367, %parallel_loop3A_390 : vector<16xf32>
        %parallel_loop3A_392 = arith.constant 16 : i32
        %parallel_loop3A_393 = arith.addi %parallel_loop3A_381, %parallel_loop3A_392 : i32
        %parallel_loop3A_394 = arith.index_cast %parallel_loop3A_393 : i32 to index
        %parallel_loop3A_395 = tpu.vector_load %arg5[%parallel_loop3A_394] {strides = array<i32>} : memref<110592xf32, #tpu.memory_space<vmem>>, vector<16xf32>,
        %parallel_loop3A_396 = arith.mulf %parallel_loop3A_395, %parallel_loop3A_385 : vector<16xf32>
        %parallel_loop3A_397 = arith.addf %parallel_loop3A_373, %parallel_loop3A_396 : vector<16xf32>
        %parallel_loop3A_398 = arith.constant 32 : i32
        %parallel_loop3A_399 = arith.addi %parallel_loop3A_381, %parallel_loop3A_398 : i32
        %parallel_loop3A_400 = arith.index_cast %parallel_loop3A_399 : i32 to index
        %parallel_loop3A_401 = tpu.vector_load %arg5[%parallel_loop3A_400] {strides = array<i32>} : memref<110592xf32, #tpu.memory_space<vmem>>, vector<16xf32>,
        %parallel_loop3A_402 = arith.mulf %parallel_loop3A_401, %parallel_loop3A_385 : vector<16xf32>
        %parallel_loop3A_403 = arith.addf %parallel_loop3A_379, %parallel_loop3A_402 : vector<16xf32>
        %parallel_loop3A_404 = vector.extract_strided_slice %parallel_loop3A_306 {offsets = [4], sizes = [1], strides = [1]} : vector<16xi32> to vector<1xi32>
        %parallel_loop3A_405 = vector.extract %parallel_loop3A_404[0] : i32 from vector<1xi32>
        %parallel_loop3A_406 = arith.constant 4 : i32
        %parallel_loop3A_407 = vector.broadcast %parallel_loop3A_406 : i32 to vector<16x1xi32>
        %parallel_loop3A_408 = vector.shape_cast %parallel_loop3A_407 : vector<16x1xi32> to vector<16xi32>
        %parallel_loop3A_409 = tpu.dynamic_gather %parallel_loop3A_307[%parallel_loop3A_408] in [0] : vector<16xf32>, vector<16xi32> -> vector<16xf32>
        %parallel_loop3A_410 = arith.constant 0 : i32
        %parallel_loop3A_411 = arith.addi %parallel_loop3A_405, %parallel_loop3A_410 : i32
        %parallel_loop3A_412 = arith.index_cast %parallel_loop3A_411 : i32 to index
        %parallel_loop3A_413 = tpu.vector_load %arg5[%parallel_loop3A_412] {strides = array<i32>} : memref<110592xf32, #tpu.memory_space<vmem>>, vector<16xf32>,
        %parallel_loop3A_414 = arith.mulf %parallel_loop3A_413, %parallel_loop3A_409 : vector<16xf32>
        %parallel_loop3A_415 = arith.addf %parallel_loop3A_391, %parallel_loop3A_414 : vector<16xf32>
        %parallel_loop3A_416 = arith.constant 16 : i32
        %parallel_loop3A_417 = arith.addi %parallel_loop3A_405, %parallel_loop3A_416 : i32
        %parallel_loop3A_418 = arith.index_cast %parallel_loop3A_417 : i32 to index
        %parallel_loop3A_419 = tpu.vector_load %arg5[%parallel_loop3A_418] {strides = array<i32>} : memref<110592xf32, #tpu.memory_space<vmem>>, vector<16xf32>,
        %parallel_loop3A_420 = arith.mulf %parallel_loop3A_419, %parallel_loop3A_409 : vector<16xf32>
        %parallel_loop3A_421 = arith.addf %parallel_loop3A_397, %parallel_loop3A_420 : vector<16xf32>
        %parallel_loop3A_422 = arith.constant 32 : i32
        %parallel_loop3A_423 = arith.addi %parallel_loop3A_405, %parallel_loop3A_422 : i32
        %parallel_loop3A_424 = arith.index_cast %parallel_loop3A_423 : i32 to index
        %parallel_loop3A_425 = tpu.vector_load %arg5[%parallel_loop3A_424] {strides = array<i32>} : memref<110592xf32, #tpu.memory_space<vmem>>, vector<16xf32>,
        %parallel_loop3A_426 = arith.mulf %parallel_loop3A_425, %parallel_loop3A_409 : vector<16xf32>
        %parallel_loop3A_427 = arith.addf %parallel_loop3A_403, %parallel_loop3A_426 : vector<16xf32>
        %parallel_loop3A_428 = vector.extract_strided_slice %parallel_loop3A_306 {offsets = [5], sizes = [1], strides = [1]} : vector<16xi32> to vector<1xi32>
        %parallel_loop3A_429 = vector.extract %parallel_loop3A_428[0] : i32 from vector<1xi32>
        %parallel_loop3A_430 = arith.constant 5 : i32
        %parallel_loop3A_431 = vector.broadcast %parallel_loop3A_430 : i32 to vector<16x1xi32>
        %parallel_loop3A_432 = vector.shape_cast %parallel_loop3A_431 : vector<16x1xi32> to vector<16xi32>
        %parallel_loop3A_433 = tpu.dynamic_gather %parallel_loop3A_307[%parallel_loop3A_432] in [0] : vector<16xf32>, vector<16xi32> -> vector<16xf32>
        %parallel_loop3A_434 = arith.constant 0 : i32
        %parallel_loop3A_435 = arith.addi %parallel_loop3A_429, %parallel_loop3A_434 : i32
        %parallel_loop3A_436 = arith.index_cast %parallel_loop3A_435 : i32 to index
        %parallel_loop3A_437 = tpu.vector_load %arg5[%parallel_loop3A_436] {strides = array<i32>} : memref<110592xf32, #tpu.memory_space<vmem>>, vector<16xf32>,
        %parallel_loop3A_438 = arith.mulf %parallel_loop3A_437, %parallel_loop3A_433 : vector<16xf32>
        %parallel_loop3A_439 = arith.addf %parallel_loop3A_415, %parallel_loop3A_438 : vector<16xf32>
        %parallel_loop3A_440 = arith.constant 16 : i32
        %parallel_loop3A_441 = arith.addi %parallel_loop3A_429, %parallel_loop3A_440 : i32
        %parallel_loop3A_442 = arith.index_cast %parallel_loop3A_441 : i32 to index
        %parallel_loop3A_443 = tpu.vector_load %arg5[%parallel_loop3A_442] {strides = array<i32>} : memref<110592xf32, #tpu.memory_space<vmem>>, vector<16xf32>,
        %parallel_loop3A_444 = arith.mulf %parallel_loop3A_443, %parallel_loop3A_433 : vector<16xf32>
        %parallel_loop3A_445 = arith.addf %parallel_loop3A_421, %parallel_loop3A_444 : vector<16xf32>
        %parallel_loop3A_446 = arith.constant 32 : i32
        %parallel_loop3A_447 = arith.addi %parallel_loop3A_429, %parallel_loop3A_446 : i32
        %parallel_loop3A_448 = arith.index_cast %parallel_loop3A_447 : i32 to index
        %parallel_loop3A_449 = tpu.vector_load %arg5[%parallel_loop3A_448] {strides = array<i32>} : memref<110592xf32, #tpu.memory_space<vmem>>, vector<16xf32>,
        %parallel_loop3A_450 = arith.mulf %parallel_loop3A_449, %parallel_loop3A_433 : vector<16xf32>
        %parallel_loop3A_451 = arith.addf %parallel_loop3A_427, %parallel_loop3A_450 : vector<16xf32>
        %parallel_loop3A_452 = vector.extract_strided_slice %parallel_loop3A_306 {offsets = [6], sizes = [1], strides = [1]} : vector<16xi32> to vector<1xi32>
        %parallel_loop3A_453 = vector.extract %parallel_loop3A_452[0] : i32 from vector<1xi32>
        %parallel_loop3A_454 = arith.constant 6 : i32
        %parallel_loop3A_455 = vector.broadcast %parallel_loop3A_454 : i32 to vector<16x1xi32>
        %parallel_loop3A_456 = vector.shape_cast %parallel_loop3A_455 : vector<16x1xi32> to vector<16xi32>
        %parallel_loop3A_457 = tpu.dynamic_gather %parallel_loop3A_307[%parallel_loop3A_456] in [0] : vector<16xf32>, vector<16xi32> -> vector<16xf32>
        %parallel_loop3A_458 = arith.constant 0 : i32
        %parallel_loop3A_459 = arith.addi %parallel_loop3A_453, %parallel_loop3A_458 : i32
        %parallel_loop3A_460 = arith.index_cast %parallel_loop3A_459 : i32 to index
        %parallel_loop3A_461 = tpu.vector_load %arg5[%parallel_loop3A_460] {strides = array<i32>} : memref<110592xf32, #tpu.memory_space<vmem>>, vector<16xf32>,
        %parallel_loop3A_462 = arith.mulf %parallel_loop3A_461, %parallel_loop3A_457 : vector<16xf32>
        %parallel_loop3A_463 = arith.addf %parallel_loop3A_439, %parallel_loop3A_462 : vector<16xf32>
        %parallel_loop3A_464 = arith.constant 16 : i32
        %parallel_loop3A_465 = arith.addi %parallel_loop3A_453, %parallel_loop3A_464 : i32
        %parallel_loop3A_466 = arith.index_cast %parallel_loop3A_465 : i32 to index
        %parallel_loop3A_467 = tpu.vector_load %arg5[%parallel_loop3A_466] {strides = array<i32>} : memref<110592xf32, #tpu.memory_space<vmem>>, vector<16xf32>,
        %parallel_loop3A_468 = arith.mulf %parallel_loop3A_467, %parallel_loop3A_457 : vector<16xf32>
        %parallel_loop3A_469 = arith.addf %parallel_loop3A_445, %parallel_loop3A_468 : vector<16xf32>
        %parallel_loop3A_470 = arith.constant 32 : i32
        %parallel_loop3A_471 = arith.addi %parallel_loop3A_453, %parallel_loop3A_470 : i32
        %parallel_loop3A_472 = arith.index_cast %parallel_loop3A_471 : i32 to index
        %parallel_loop3A_473 = tpu.vector_load %arg5[%parallel_loop3A_472] {strides = array<i32>} : memref<110592xf32, #tpu.memory_space<vmem>>, vector<16xf32>,
        %parallel_loop3A_474 = arith.mulf %parallel_loop3A_473, %parallel_loop3A_457 : vector<16xf32>
        %parallel_loop3A_475 = arith.addf %parallel_loop3A_451, %parallel_loop3A_474 : vector<16xf32>
        %parallel_loop3A_476 = vector.extract_strided_slice %parallel_loop3A_306 {offsets = [7], sizes = [1], strides = [1]} : vector<16xi32> to vector<1xi32>
        %parallel_loop3A_477 = vector.extract %parallel_loop3A_476[0] : i32 from vector<1xi32>
        %parallel_loop3A_478 = arith.constant 7 : i32
        %parallel_loop3A_479 = vector.broadcast %parallel_loop3A_478 : i32 to vector<16x1xi32>
        %parallel_loop3A_480 = vector.shape_cast %parallel_loop3A_479 : vector<16x1xi32> to vector<16xi32>
        %parallel_loop3A_481 = tpu.dynamic_gather %parallel_loop3A_307[%parallel_loop3A_480] in [0] : vector<16xf32>, vector<16xi32> -> vector<16xf32>
        %parallel_loop3A_482 = arith.constant 0 : i32
        %parallel_loop3A_483 = arith.addi %parallel_loop3A_477, %parallel_loop3A_482 : i32
        %parallel_loop3A_484 = arith.index_cast %parallel_loop3A_483 : i32 to index
        %parallel_loop3A_485 = tpu.vector_load %arg5[%parallel_loop3A_484] {strides = array<i32>} : memref<110592xf32, #tpu.memory_space<vmem>>, vector<16xf32>,
        %parallel_loop3A_486 = arith.mulf %parallel_loop3A_485, %parallel_loop3A_481 : vector<16xf32>
        %parallel_loop3A_487 = arith.addf %parallel_loop3A_463, %parallel_loop3A_486 : vector<16xf32>
        %parallel_loop3A_488 = arith.constant 16 : i32
        %parallel_loop3A_489 = arith.addi %parallel_loop3A_477, %parallel_loop3A_488 : i32
        %parallel_loop3A_490 = arith.index_cast %parallel_loop3A_489 : i32 to index
        %parallel_loop3A_491 = tpu.vector_load %arg5[%parallel_loop3A_490] {strides = array<i32>} : memref<110592xf32, #tpu.memory_space<vmem>>, vector<16xf32>,
        %parallel_loop3A_492 = arith.mulf %parallel_loop3A_491, %parallel_loop3A_481 : vector<16xf32>
        %parallel_loop3A_493 = arith.addf %parallel_loop3A_469, %parallel_loop3A_492 : vector<16xf32>
        %parallel_loop3A_494 = arith.constant 32 : i32
        %parallel_loop3A_495 = arith.addi %parallel_loop3A_477, %parallel_loop3A_494 : i32
        %parallel_loop3A_496 = arith.index_cast %parallel_loop3A_495 : i32 to index
        %parallel_loop3A_497 = tpu.vector_load %arg5[%parallel_loop3A_496] {strides = array<i32>} : memref<110592xf32, #tpu.memory_space<vmem>>, vector<16xf32>,
        %parallel_loop3A_498 = arith.mulf %parallel_loop3A_497, %parallel_loop3A_481 : vector<16xf32>
        %parallel_loop3A_499 = arith.addf %parallel_loop3A_475, %parallel_loop3A_498 : vector<16xf32>
        %parallel_loop3A_500 = vector.extract_strided_slice %parallel_loop3A_306 {offsets = [8], sizes = [1], strides = [1]} : vector<16xi32> to vector<1xi32>
        %parallel_loop3A_501 = vector.extract %parallel_loop3A_500[0] : i32 from vector<1xi32>
        %parallel_loop3A_502 = arith.constant 8 : i32
        %parallel_loop3A_503 = vector.broadcast %parallel_loop3A_502 : i32 to vector<16x1xi32>
        %parallel_loop3A_504 = vector.shape_cast %parallel_loop3A_503 : vector<16x1xi32> to vector<16xi32>
        %parallel_loop3A_505 = tpu.dynamic_gather %parallel_loop3A_307[%parallel_loop3A_504] in [0] : vector<16xf32>, vector<16xi32> -> vector<16xf32>
        %parallel_loop3A_506 = arith.constant 0 : i32
        %parallel_loop3A_507 = arith.addi %parallel_loop3A_501, %parallel_loop3A_506 : i32
        %parallel_loop3A_508 = arith.index_cast %parallel_loop3A_507 : i32 to index
        %parallel_loop3A_509 = tpu.vector_load %arg5[%parallel_loop3A_508] {strides = array<i32>} : memref<110592xf32, #tpu.memory_space<vmem>>, vector<16xf32>,
        %parallel_loop3A_510 = arith.mulf %parallel_loop3A_509, %parallel_loop3A_505 : vector<16xf32>
        %parallel_loop3A_511 = arith.addf %parallel_loop3A_487, %parallel_loop3A_510 : vector<16xf32>
        %parallel_loop3A_512 = arith.constant 16 : i32
        %parallel_loop3A_513 = arith.addi %parallel_loop3A_501, %parallel_loop3A_512 : i32
        %parallel_loop3A_514 = arith.index_cast %parallel_loop3A_513 : i32 to index
        %parallel_loop3A_515 = tpu.vector_load %arg5[%parallel_loop3A_514] {strides = array<i32>} : memref<110592xf32, #tpu.memory_space<vmem>>, vector<16xf32>,
        %parallel_loop3A_516 = arith.mulf %parallel_loop3A_515, %parallel_loop3A_505 : vector<16xf32>
        %parallel_loop3A_517 = arith.addf %parallel_loop3A_493, %parallel_loop3A_516 : vector<16xf32>
        %parallel_loop3A_518 = arith.constant 32 : i32
        %parallel_loop3A_519 = arith.addi %parallel_loop3A_501, %parallel_loop3A_518 : i32
        %parallel_loop3A_520 = arith.index_cast %parallel_loop3A_519 : i32 to index
        %parallel_loop3A_521 = tpu.vector_load %arg5[%parallel_loop3A_520] {strides = array<i32>} : memref<110592xf32, #tpu.memory_space<vmem>>, vector<16xf32>,
        %parallel_loop3A_522 = arith.mulf %parallel_loop3A_521, %parallel_loop3A_505 : vector<16xf32>
        %parallel_loop3A_523 = arith.addf %parallel_loop3A_499, %parallel_loop3A_522 : vector<16xf32>
        %parallel_loop3A_524 = vector.extract_strided_slice %parallel_loop3A_306 {offsets = [9], sizes = [1], strides = [1]} : vector<16xi32> to vector<1xi32>
        %parallel_loop3A_525 = vector.extract %parallel_loop3A_524[0] : i32 from vector<1xi32>
        %parallel_loop3A_526 = arith.constant 9 : i32
        %parallel_loop3A_527 = vector.broadcast %parallel_loop3A_526 : i32 to vector<16x1xi32>
        %parallel_loop3A_528 = vector.shape_cast %parallel_loop3A_527 : vector<16x1xi32> to vector<16xi32>
        %parallel_loop3A_529 = tpu.dynamic_gather %parallel_loop3A_307[%parallel_loop3A_528] in [0] : vector<16xf32>, vector<16xi32> -> vector<16xf32>
        %parallel_loop3A_530 = arith.constant 0 : i32
        %parallel_loop3A_531 = arith.addi %parallel_loop3A_525, %parallel_loop3A_530 : i32
        %parallel_loop3A_532 = arith.index_cast %parallel_loop3A_531 : i32 to index
        %parallel_loop3A_533 = tpu.vector_load %arg5[%parallel_loop3A_532] {strides = array<i32>} : memref<110592xf32, #tpu.memory_space<vmem>>, vector<16xf32>,
        %parallel_loop3A_534 = arith.mulf %parallel_loop3A_533, %parallel_loop3A_529 : vector<16xf32>
        %parallel_loop3A_535 = arith.addf %parallel_loop3A_511, %parallel_loop3A_534 : vector<16xf32>
        %parallel_loop3A_536 = arith.constant 16 : i32
        %parallel_loop3A_537 = arith.addi %parallel_loop3A_525, %parallel_loop3A_536 : i32
        %parallel_loop3A_538 = arith.index_cast %parallel_loop3A_537 : i32 to index
        %parallel_loop3A_539 = tpu.vector_load %arg5[%parallel_loop3A_538] {strides = array<i32>} : memref<110592xf32, #tpu.memory_space<vmem>>, vector<16xf32>,
        %parallel_loop3A_540 = arith.mulf %parallel_loop3A_539, %parallel_loop3A_529 : vector<16xf32>
        %parallel_loop3A_541 = arith.addf %parallel_loop3A_517, %parallel_loop3A_540 : vector<16xf32>
        %parallel_loop3A_542 = arith.constant 32 : i32
        %parallel_loop3A_543 = arith.addi %parallel_loop3A_525, %parallel_loop3A_542 : i32
        %parallel_loop3A_544 = arith.index_cast %parallel_loop3A_543 : i32 to index
        %parallel_loop3A_545 = tpu.vector_load %arg5[%parallel_loop3A_544] {strides = array<i32>} : memref<110592xf32, #tpu.memory_space<vmem>>, vector<16xf32>,
        %parallel_loop3A_546 = arith.mulf %parallel_loop3A_545, %parallel_loop3A_529 : vector<16xf32>
        %parallel_loop3A_547 = arith.addf %parallel_loop3A_523, %parallel_loop3A_546 : vector<16xf32>
        %parallel_loop3A_548 = vector.extract_strided_slice %parallel_loop3A_306 {offsets = [10], sizes = [1], strides = [1]} : vector<16xi32> to vector<1xi32>
        %parallel_loop3A_549 = vector.extract %parallel_loop3A_548[0] : i32 from vector<1xi32>
        %parallel_loop3A_550 = arith.constant 10 : i32
        %parallel_loop3A_551 = vector.broadcast %parallel_loop3A_550 : i32 to vector<16x1xi32>
        %parallel_loop3A_552 = vector.shape_cast %parallel_loop3A_551 : vector<16x1xi32> to vector<16xi32>
        %parallel_loop3A_553 = tpu.dynamic_gather %parallel_loop3A_307[%parallel_loop3A_552] in [0] : vector<16xf32>, vector<16xi32> -> vector<16xf32>
        %parallel_loop3A_554 = arith.constant 0 : i32
        %parallel_loop3A_555 = arith.addi %parallel_loop3A_549, %parallel_loop3A_554 : i32
        %parallel_loop3A_556 = arith.index_cast %parallel_loop3A_555 : i32 to index
        %parallel_loop3A_557 = tpu.vector_load %arg5[%parallel_loop3A_556] {strides = array<i32>} : memref<110592xf32, #tpu.memory_space<vmem>>, vector<16xf32>,
        %parallel_loop3A_558 = arith.mulf %parallel_loop3A_557, %parallel_loop3A_553 : vector<16xf32>
        %parallel_loop3A_559 = arith.addf %parallel_loop3A_535, %parallel_loop3A_558 : vector<16xf32>
        %parallel_loop3A_560 = arith.constant 16 : i32
        %parallel_loop3A_561 = arith.addi %parallel_loop3A_549, %parallel_loop3A_560 : i32
        %parallel_loop3A_562 = arith.index_cast %parallel_loop3A_561 : i32 to index
        %parallel_loop3A_563 = tpu.vector_load %arg5[%parallel_loop3A_562] {strides = array<i32>} : memref<110592xf32, #tpu.memory_space<vmem>>, vector<16xf32>,
        %parallel_loop3A_564 = arith.mulf %parallel_loop3A_563, %parallel_loop3A_553 : vector<16xf32>
        %parallel_loop3A_565 = arith.addf %parallel_loop3A_541, %parallel_loop3A_564 : vector<16xf32>
        %parallel_loop3A_566 = arith.constant 32 : i32
        %parallel_loop3A_567 = arith.addi %parallel_loop3A_549, %parallel_loop3A_566 : i32
        %parallel_loop3A_568 = arith.index_cast %parallel_loop3A_567 : i32 to index
        %parallel_loop3A_569 = tpu.vector_load %arg5[%parallel_loop3A_568] {strides = array<i32>} : memref<110592xf32, #tpu.memory_space<vmem>>, vector<16xf32>,
        %parallel_loop3A_570 = arith.mulf %parallel_loop3A_569, %parallel_loop3A_553 : vector<16xf32>
        %parallel_loop3A_571 = arith.addf %parallel_loop3A_547, %parallel_loop3A_570 : vector<16xf32>
        %parallel_loop3A_572 = vector.extract_strided_slice %parallel_loop3A_306 {offsets = [11], sizes = [1], strides = [1]} : vector<16xi32> to vector<1xi32>
        %parallel_loop3A_573 = vector.extract %parallel_loop3A_572[0] : i32 from vector<1xi32>
        %parallel_loop3A_574 = arith.constant 11 : i32
        %parallel_loop3A_575 = vector.broadcast %parallel_loop3A_574 : i32 to vector<16x1xi32>
        %parallel_loop3A_576 = vector.shape_cast %parallel_loop3A_575 : vector<16x1xi32> to vector<16xi32>
        %parallel_loop3A_577 = tpu.dynamic_gather %parallel_loop3A_307[%parallel_loop3A_576] in [0] : vector<16xf32>, vector<16xi32> -> vector<16xf32>
        %parallel_loop3A_578 = arith.constant 0 : i32
        %parallel_loop3A_579 = arith.addi %parallel_loop3A_573, %parallel_loop3A_578 : i32
        %parallel_loop3A_580 = arith.index_cast %parallel_loop3A_579 : i32 to index
        %parallel_loop3A_581 = tpu.vector_load %arg5[%parallel_loop3A_580] {strides = array<i32>} : memref<110592xf32, #tpu.memory_space<vmem>>, vector<16xf32>,
        %parallel_loop3A_582 = arith.mulf %parallel_loop3A_581, %parallel_loop3A_577 : vector<16xf32>
        %parallel_loop3A_583 = arith.addf %parallel_loop3A_559, %parallel_loop3A_582 : vector<16xf32>
        %parallel_loop3A_584 = arith.constant 16 : i32
        %parallel_loop3A_585 = arith.addi %parallel_loop3A_573, %parallel_loop3A_584 : i32
        %parallel_loop3A_586 = arith.index_cast %parallel_loop3A_585 : i32 to index
        %parallel_loop3A_587 = tpu.vector_load %arg5[%parallel_loop3A_586] {strides = array<i32>} : memref<110592xf32, #tpu.memory_space<vmem>>, vector<16xf32>,
        %parallel_loop3A_588 = arith.mulf %parallel_loop3A_587, %parallel_loop3A_577 : vector<16xf32>
        %parallel_loop3A_589 = arith.addf %parallel_loop3A_565, %parallel_loop3A_588 : vector<16xf32>
        %parallel_loop3A_590 = arith.constant 32 : i32
        %parallel_loop3A_591 = arith.addi %parallel_loop3A_573, %parallel_loop3A_590 : i32
        %parallel_loop3A_592 = arith.index_cast %parallel_loop3A_591 : i32 to index
        %parallel_loop3A_593 = tpu.vector_load %arg5[%parallel_loop3A_592] {strides = array<i32>} : memref<110592xf32, #tpu.memory_space<vmem>>, vector<16xf32>,
        %parallel_loop3A_594 = arith.mulf %parallel_loop3A_593, %parallel_loop3A_577 : vector<16xf32>
        %parallel_loop3A_595 = arith.addf %parallel_loop3A_571, %parallel_loop3A_594 : vector<16xf32>
        %parallel_loop3A_596 = vector.extract_strided_slice %parallel_loop3A_306 {offsets = [12], sizes = [1], strides = [1]} : vector<16xi32> to vector<1xi32>
        %parallel_loop3A_597 = vector.extract %parallel_loop3A_596[0] : i32 from vector<1xi32>
        %parallel_loop3A_598 = arith.constant 12 : i32
        %parallel_loop3A_599 = vector.broadcast %parallel_loop3A_598 : i32 to vector<16x1xi32>
        %parallel_loop3A_600 = vector.shape_cast %parallel_loop3A_599 : vector<16x1xi32> to vector<16xi32>
        %parallel_loop3A_601 = tpu.dynamic_gather %parallel_loop3A_307[%parallel_loop3A_600] in [0] : vector<16xf32>, vector<16xi32> -> vector<16xf32>
        %parallel_loop3A_602 = arith.constant 0 : i32
        %parallel_loop3A_603 = arith.addi %parallel_loop3A_597, %parallel_loop3A_602 : i32
        %parallel_loop3A_604 = arith.index_cast %parallel_loop3A_603 : i32 to index
        %parallel_loop3A_605 = tpu.vector_load %arg5[%parallel_loop3A_604] {strides = array<i32>} : memref<110592xf32, #tpu.memory_space<vmem>>, vector<16xf32>,
        %parallel_loop3A_606 = arith.mulf %parallel_loop3A_605, %parallel_loop3A_601 : vector<16xf32>
        %parallel_loop3A_607 = arith.addf %parallel_loop3A_583, %parallel_loop3A_606 : vector<16xf32>
        %parallel_loop3A_608 = arith.constant 16 : i32
        %parallel_loop3A_609 = arith.addi %parallel_loop3A_597, %parallel_loop3A_608 : i32
        %parallel_loop3A_610 = arith.index_cast %parallel_loop3A_609 : i32 to index
        %parallel_loop3A_611 = tpu.vector_load %arg5[%parallel_loop3A_610] {strides = array<i32>} : memref<110592xf32, #tpu.memory_space<vmem>>, vector<16xf32>,
        %parallel_loop3A_612 = arith.mulf %parallel_loop3A_611, %parallel_loop3A_601 : vector<16xf32>
        %parallel_loop3A_613 = arith.addf %parallel_loop3A_589, %parallel_loop3A_612 : vector<16xf32>
        %parallel_loop3A_614 = arith.constant 32 : i32
        %parallel_loop3A_615 = arith.addi %parallel_loop3A_597, %parallel_loop3A_614 : i32
        %parallel_loop3A_616 = arith.index_cast %parallel_loop3A_615 : i32 to index
        %parallel_loop3A_617 = tpu.vector_load %arg5[%parallel_loop3A_616] {strides = array<i32>} : memref<110592xf32, #tpu.memory_space<vmem>>, vector<16xf32>,
        %parallel_loop3A_618 = arith.mulf %parallel_loop3A_617, %parallel_loop3A_601 : vector<16xf32>
        %parallel_loop3A_619 = arith.addf %parallel_loop3A_595, %parallel_loop3A_618 : vector<16xf32>
        %parallel_loop3A_620 = vector.extract_strided_slice %parallel_loop3A_306 {offsets = [13], sizes = [1], strides = [1]} : vector<16xi32> to vector<1xi32>
        %parallel_loop3A_621 = vector.extract %parallel_loop3A_620[0] : i32 from vector<1xi32>
        %parallel_loop3A_622 = arith.constant 13 : i32
        %parallel_loop3A_623 = vector.broadcast %parallel_loop3A_622 : i32 to vector<16x1xi32>
        %parallel_loop3A_624 = vector.shape_cast %parallel_loop3A_623 : vector<16x1xi32> to vector<16xi32>
        %parallel_loop3A_625 = tpu.dynamic_gather %parallel_loop3A_307[%parallel_loop3A_624] in [0] : vector<16xf32>, vector<16xi32> -> vector<16xf32>
        %parallel_loop3A_626 = arith.constant 0 : i32
        %parallel_loop3A_627 = arith.addi %parallel_loop3A_621, %parallel_loop3A_626 : i32
        %parallel_loop3A_628 = arith.index_cast %parallel_loop3A_627 : i32 to index
        %parallel_loop3A_629 = tpu.vector_load %arg5[%parallel_loop3A_628] {strides = array<i32>} : memref<110592xf32, #tpu.memory_space<vmem>>, vector<16xf32>,
        %parallel_loop3A_630 = arith.mulf %parallel_loop3A_629, %parallel_loop3A_625 : vector<16xf32>
        %parallel_loop3A_631 = arith.addf %parallel_loop3A_607, %parallel_loop3A_630 : vector<16xf32>
        %parallel_loop3A_632 = arith.constant 16 : i32
        %parallel_loop3A_633 = arith.addi %parallel_loop3A_621, %parallel_loop3A_632 : i32
        %parallel_loop3A_634 = arith.index_cast %parallel_loop3A_633 : i32 to index
        %parallel_loop3A_635 = tpu.vector_load %arg5[%parallel_loop3A_634] {strides = array<i32>} : memref<110592xf32, #tpu.memory_space<vmem>>, vector<16xf32>,
        %parallel_loop3A_636 = arith.mulf %parallel_loop3A_635, %parallel_loop3A_625 : vector<16xf32>
        %parallel_loop3A_637 = arith.addf %parallel_loop3A_613, %parallel_loop3A_636 : vector<16xf32>
        %parallel_loop3A_638 = arith.constant 32 : i32
        %parallel_loop3A_639 = arith.addi %parallel_loop3A_621, %parallel_loop3A_638 : i32
        %parallel_loop3A_640 = arith.index_cast %parallel_loop3A_639 : i32 to index
        %parallel_loop3A_641 = tpu.vector_load %arg5[%parallel_loop3A_640] {strides = array<i32>} : memref<110592xf32, #tpu.memory_space<vmem>>, vector<16xf32>,
        %parallel_loop3A_642 = arith.mulf %parallel_loop3A_641, %parallel_loop3A_625 : vector<16xf32>
        %parallel_loop3A_643 = arith.addf %parallel_loop3A_619, %parallel_loop3A_642 : vector<16xf32>
        %parallel_loop3A_644 = vector.extract_strided_slice %parallel_loop3A_306 {offsets = [14], sizes = [1], strides = [1]} : vector<16xi32> to vector<1xi32>
        %parallel_loop3A_645 = vector.extract %parallel_loop3A_644[0] : i32 from vector<1xi32>
        %parallel_loop3A_646 = arith.constant 14 : i32
        %parallel_loop3A_647 = vector.broadcast %parallel_loop3A_646 : i32 to vector<16x1xi32>
        %parallel_loop3A_648 = vector.shape_cast %parallel_loop3A_647 : vector<16x1xi32> to vector<16xi32>
        %parallel_loop3A_649 = tpu.dynamic_gather %parallel_loop3A_307[%parallel_loop3A_648] in [0] : vector<16xf32>, vector<16xi32> -> vector<16xf32>
        %parallel_loop3A_650 = arith.constant 0 : i32
        %parallel_loop3A_651 = arith.addi %parallel_loop3A_645, %parallel_loop3A_650 : i32
        %parallel_loop3A_652 = arith.index_cast %parallel_loop3A_651 : i32 to index
        %parallel_loop3A_653 = tpu.vector_load %arg5[%parallel_loop3A_652] {strides = array<i32>} : memref<110592xf32, #tpu.memory_space<vmem>>, vector<16xf32>,
        %parallel_loop3A_654 = arith.mulf %parallel_loop3A_653, %parallel_loop3A_649 : vector<16xf32>
        %parallel_loop3A_655 = arith.addf %parallel_loop3A_631, %parallel_loop3A_654 : vector<16xf32>
        %parallel_loop3A_656 = arith.constant 16 : i32
        %parallel_loop3A_657 = arith.addi %parallel_loop3A_645, %parallel_loop3A_656 : i32
        %parallel_loop3A_658 = arith.index_cast %parallel_loop3A_657 : i32 to index
        %parallel_loop3A_659 = tpu.vector_load %arg5[%parallel_loop3A_658] {strides = array<i32>} : memref<110592xf32, #tpu.memory_space<vmem>>, vector<16xf32>,
        %parallel_loop3A_660 = arith.mulf %parallel_loop3A_659, %parallel_loop3A_649 : vector<16xf32>
        %parallel_loop3A_661 = arith.addf %parallel_loop3A_637, %parallel_loop3A_660 : vector<16xf32>
        %parallel_loop3A_662 = arith.constant 32 : i32
        %parallel_loop3A_663 = arith.addi %parallel_loop3A_645, %parallel_loop3A_662 : i32
        %parallel_loop3A_664 = arith.index_cast %parallel_loop3A_663 : i32 to index
        %parallel_loop3A_665 = tpu.vector_load %arg5[%parallel_loop3A_664] {strides = array<i32>} : memref<110592xf32, #tpu.memory_space<vmem>>, vector<16xf32>,
        %parallel_loop3A_666 = arith.mulf %parallel_loop3A_665, %parallel_loop3A_649 : vector<16xf32>
        %parallel_loop3A_667 = arith.addf %parallel_loop3A_643, %parallel_loop3A_666 : vector<16xf32>
        %parallel_loop3A_668 = vector.extract_strided_slice %parallel_loop3A_306 {offsets = [15], sizes = [1], strides = [1]} : vector<16xi32> to vector<1xi32>
        %parallel_loop3A_669 = vector.extract %parallel_loop3A_668[0] : i32 from vector<1xi32>
        %parallel_loop3A_670 = arith.constant 15 : i32
        %parallel_loop3A_671 = vector.broadcast %parallel_loop3A_670 : i32 to vector<16x1xi32>
        %parallel_loop3A_672 = vector.shape_cast %parallel_loop3A_671 : vector<16x1xi32> to vector<16xi32>
        %parallel_loop3A_673 = tpu.dynamic_gather %parallel_loop3A_307[%parallel_loop3A_672] in [0] : vector<16xf32>, vector<16xi32> -> vector<16xf32>
        %parallel_loop3A_674 = arith.constant 0 : i32
        %parallel_loop3A_675 = arith.addi %parallel_loop3A_669, %parallel_loop3A_674 : i32
        %parallel_loop3A_676 = arith.index_cast %parallel_loop3A_675 : i32 to index
        %parallel_loop3A_677 = tpu.vector_load %arg5[%parallel_loop3A_676] {strides = array<i32>} : memref<110592xf32, #tpu.memory_space<vmem>>, vector<16xf32>,
        %parallel_loop3A_678 = arith.mulf %parallel_loop3A_677, %parallel_loop3A_673 : vector<16xf32>
        %parallel_loop3A_679 = arith.addf %parallel_loop3A_655, %parallel_loop3A_678 : vector<16xf32>
        %parallel_loop3A_680 = arith.constant 16 : i32
        %parallel_loop3A_681 = arith.addi %parallel_loop3A_669, %parallel_loop3A_680 : i32
        %parallel_loop3A_682 = arith.index_cast %parallel_loop3A_681 : i32 to index
        %parallel_loop3A_683 = tpu.vector_load %arg5[%parallel_loop3A_682] {strides = array<i32>} : memref<110592xf32, #tpu.memory_space<vmem>>, vector<16xf32>,
        %parallel_loop3A_684 = arith.mulf %parallel_loop3A_683, %parallel_loop3A_673 : vector<16xf32>
        %parallel_loop3A_685 = arith.addf %parallel_loop3A_661, %parallel_loop3A_684 : vector<16xf32>
        %parallel_loop3A_686 = arith.constant 32 : i32
        %parallel_loop3A_687 = arith.addi %parallel_loop3A_669, %parallel_loop3A_686 : i32
        %parallel_loop3A_688 = arith.index_cast %parallel_loop3A_687 : i32 to index
        %parallel_loop3A_689 = tpu.vector_load %arg5[%parallel_loop3A_688] {strides = array<i32>} : memref<110592xf32, #tpu.memory_space<vmem>>, vector<16xf32>,
        %parallel_loop3A_690 = arith.mulf %parallel_loop3A_689, %parallel_loop3A_673 : vector<16xf32>
        %parallel_loop3A_691 = arith.addf %parallel_loop3A_667, %parallel_loop3A_690 : vector<16xf32>
        %parallel_loop3A_692 = arith.constant 48 : i32
        %parallel_loop3A_693 = arith.muli %parallel_loop3A_249, %parallel_loop3A_692 : i32
        %parallel_loop3A_694 = arith.addi %parallel_loop3A_693, %mul3A_230 : i32
        %parallel_loop3A_695 = vector.broadcast %parallel_loop3A_694 : i32 to vector<16xi32>
        %parallel_loop3A_696 = arith.addi %add3A_44, %parallel_loop3A_695 : vector<16xi32>
        tpu.vector_store_idx %arg11[%parallel_loop3A_696], %parallel_loop3A_679 : memref<5120xf32, #tpu.memory_space<vmem>>[vector<16xi32>], vector<16xf32>,
        %parallel_loop3A_697 = vector.broadcast %parallel_loop3A_694 : i32 to vector<16xi32>
        %parallel_loop3A_698 = arith.addi %add3A_47, %parallel_loop3A_697 : vector<16xi32>
        tpu.vector_store_idx %arg11[%parallel_loop3A_698], %parallel_loop3A_685 : memref<5120xf32, #tpu.memory_space<vmem>>[vector<16xi32>], vector<16xf32>,
        %parallel_loop3A_699 = vector.broadcast %parallel_loop3A_694 : i32 to vector<16xi32>
        %parallel_loop3A_700 = arith.addi %add3A_50, %parallel_loop3A_699 : vector<16xi32>
        tpu.vector_store_idx %arg11[%parallel_loop3A_700], %parallel_loop3A_691 : memref<5120xf32, #tpu.memory_space<vmem>>[vector<16xi32>], vector<16xf32>,
      } {sc.loop_unroll_factor = 2 : i64, sc.parallel_access}
      %dma_start3A = tpu.memref_slice %arg11[%mul3A_230] : memref<5120xf32, #tpu.memory_space<vmem>> -> memref<2560xf32, #tpu.memory_space<vmem>>
      %dma_start3A_246 = tpu.memref_slice %arg4[%mul3A_239] : memref<20480000xf32, #tpu.memory_space<hbm>> -> memref<2560xf32, #tpu.memory_space<hbm>>
      %dma_start3A_247 = tpu.memref_slice %arg4[%mul3A_239] : memref<20480000xf32, #tpu.memory_space<hbm>> -> memref<2560xf32, #tpu.memory_space<hbm>>
      %dma_start3A_248 = tpu.memref_slice %arg11[%mul3A_230] : memref<5120xf32, #tpu.memory_space<vmem>> -> memref<2560xf32, #tpu.memory_space<vmem>>
      tpu.enqueue_dma source(%dma_start3A_248 : memref<2560xf32, #tpu.memory_space<vmem>>) target(%dma_start3A_247 : memref<2560xf32, #tpu.memory_space<hbm>>) target_semaphore(%arg12 : memref<!tpu.dma_semaphore, #tpu.memory_space<semaphore_mem>>)
    }
    %scan3A_55 = arith.constant 250 : i32
    %mul3A_56 = arith.constant 2 : i32
    %mul3A_57 = arith.muli %shift_right_arithmetic3A_1, %mul3A_56 : i32
    %add3A_58 = arith.addi %mul3A_57, %and3A_4 : i32
    %mul3A_59 = arith.constant 1000 : i32
    %mul3A_60 = arith.muli %add3A_58, %mul3A_59 : i32
    %mul3A_61 = arith.constant 2560 : i32
    %mul3A_62 = arith.muli %mul3A_60, %mul3A_61 : i32
    %dma_wait3A = arith.constant 0 : i32
    %dma_wait3A_63 = tpu.memref_slice %arg11[%dma_wait3A] : memref<5120xf32, #tpu.memory_space<vmem>> -> memref<2560xf32, #tpu.memory_space<vmem>>
    %dma_wait3A_64 = tpu.memref_slice %arg4[%mul3A_62] : memref<20480000xf32, #tpu.memory_space<hbm>> -> memref<2560xf32, #tpu.memory_space<hbm>>
    %dma_wait3A_65 = tpu.memref_slice %arg4[%mul3A_62] : memref<20480000xf32, #tpu.memory_space<hbm>> -> memref<2560xf32, #tpu.memory_space<hbm>>
    %dma_wait3A_66 = arith.constant 0 : i32
    %dma_wait3A_67 = tpu.memref_slice %arg11[%dma_wait3A_66] : memref<5120xf32, #tpu.memory_space<vmem>> -> memref<2560xf32, #tpu.memory_space<vmem>>
    tpu.wait_dma2 semaphore(%arg12 : memref<!tpu.dma_semaphore, #tpu.memory_space<semaphore_mem>>) src(%dma_wait3A_67 : memref<2560xf32, #tpu.memory_space<vmem>>) dst(%dma_wait3A_65 : memref<2560xf32, #tpu.memory_space<hbm>>)
    %mul3A_68 = arith.constant 2 : i32
    %mul3A_69 = arith.muli %shift_right_arithmetic3A_1, %mul3A_68 : i32
    %add3A_70 = arith.addi %mul3A_69, %and3A_4 : i32
    %mul3A_71 = arith.constant 1000 : i32
    %mul3A_72 = arith.muli %add3A_70, %mul3A_71 : i32
    %mul3A_73 = arith.constant 2560 : i32
    %mul3A_74 = arith.muli %mul3A_72, %mul3A_73 : i32
    %dma_wait3A_75 = arith.constant 2560 : i32
    %dma_wait3A_76 = tpu.memref_slice %arg11[%dma_wait3A_75] : memref<5120xf32, #tpu.memory_space<vmem>> -> memref<2560xf32, #tpu.memory_space<vmem>>
    %dma_wait3A_77 = tpu.memref_slice %arg4[%mul3A_74] : memref<20480000xf32, #tpu.memory_space<hbm>> -> memref<2560xf32, #tpu.memory_space<hbm>>
    %dma_wait3A_78 = tpu.memref_slice %arg4[%mul3A_74] : memref<20480000xf32, #tpu.memory_space<hbm>> -> memref<2560xf32, #tpu.memory_space<hbm>>
    %dma_wait3A_79 = arith.constant 2560 : i32
    %dma_wait3A_80 = tpu.memref_slice %arg11[%dma_wait3A_79] : memref<5120xf32, #tpu.memory_space<vmem>> -> memref<2560xf32, #tpu.memory_space<vmem>>
    tpu.wait_dma2 semaphore(%arg12 : memref<!tpu.dma_semaphore, #tpu.memory_space<semaphore_mem>>) src(%dma_wait3A_80 : memref<2560xf32, #tpu.memory_space<vmem>>) dst(%dma_wait3A_78 : memref<2560xf32, #tpu.memory_space<hbm>>)
    return
  }
}

</mosaic_0001>

<sc_bundles>
// kernel: _roi_align_sc.3.cloned.1.call-start
scs
__scs_entry_jumppad:
0x0: {  	(pc) =	sbr.rel $0x88, $3  }
0x1: {  	(tag) =	ssettag $0x0;
	lr =	simm.s32 $0x1  }
0x2: {  	[smem:$0x3F9F] =	sst lr;
	_ =	strace $0xD0000000  }
0x3: {  	_ = 	snop  }
0x4: {  	_ = 	snop  }
0x5: {  	_ = 	snop  }
0x6: {  	_ = 	snop  }
0x7: {  	_ = 	snop  }
__scs_overlays_trampoline_lowered:
0x8: {  	[smem:$0x3FAE] =	sst s0  }
0x9: {  	[smem:$0x3FAF] =	sst s1  }
0xa: {  	[smem:$0x3FB0] =	sst s2  }
0xb: {  	[smem:$0x3FB1] =	sst s3  }
0xc: {  	[smem:$0x3FB2] =	sst s4  }
0xd: {  	[smem:$0x3FB3] =	sst s5  }
0xe: {  	[smem:$0x3FB4] =	sst s6  }
0xf: {  	[smem:$0x3FB5] =	sst s7  }
0x10: {  	[smem:$0x3FB6] =	sst s8  }
0x11: {  	[smem:$0x3FB7] =	sst s9;
	s0 =	simm.s32 @!p0 $0x0  }
0x12: {  	s1 =	sld [smem:$0x3F9D];
	s0 =	simm.s32 @p0 $0x1  }
0x13: {  	[smem:$0x3FB8] =	sst s0;
	s0 =	simm.s32 @!p1 $0x0  }
0x14: {  	s2 =	sld [smem:$0x3F9C];
	s0 =	simm.s32 @p1 $0x1  }
0x15: {  	[smem:$0x3FB9] =	sst s0;
	s0 =	simm.s32 @!p2 $0x0  }
0x16: {  	s3 =	sld [smem:$0x3FDB];
	s0 =	simm.s32 @p2 $0x1  }
0x17: {  	s4 =	simm.s32 $0x1BF5;
	[smem:$0x3FBB] =	sst s0  }
0x18: {  	s0 =	sld [smem:$0x3F9E];
	_ =	swait.ge [sflag:s4], $0x0  }
0x19: {  	s7 =	sld [smem:$0x3F9F]  }
0x1a: {  	s8 =	sadd.s32 $0xFFFFE003, lr  }
0x1b: {  	s9 =	sadd.s32 $0xFFFFFEF7, lr;
	s5 =	simm.s32 $0xFFFFFFFF;
	p2 =	slt.u32 s8, $0xFFFFF086  }
0x1c: {  	p1 =	slt.u32 s9, $0xF7A;
	s5 =	simm.s32 @!p2 $0x0  }
0x1d: {  	s5 =	simm.s32 @p1 $0x1;
	p0 =	seq.s32 s7, s2  }
0x1e: {  	s7 =	smul.u32 @!p0 $0xF7A, s2;
	p2 =	seq.s32 @!p0 s5, $0x0  }
0x1f: {  	s9 =	smul.u32 $0xF7A, s1;
	s8 =	simm.s32 @!p0 $0x1BF5;
	p2 =	por !p2, p0  }
0x20: {  	[sflag:s8] =	ssyncset.s32 @!p0 $0xFFFFF086;
	s6 =	sadd.s32 @!p0 s3, s7;
	s7 =	simm.s32 @!p0 $0x108  }
0x21: {  	s3 =	sadd.s32 s3, s9;
	s6 =	sadd.s32 @!p0 $0x88, s6;
	s7 =	simm.s32 @p2 $0x1082  }
0x22: {  	[simem:s7], [sflag:s8] =	dma.local @!p0 [hbm:s6], $0xF7A  }
0x23: {  	s9 =	sor.u32 $0xD0000000, s2;
	s6 =	simm.s32 $0x108;
	_ =	swait.ge @!p0 [sflag:s8], $0x0  }
0x24: {  	s3 =	sadd.s32 $0x88, s3;
	s6 =	simm.s32 @!p1 $0x1082;
	[sflag:s4] =	ssyncset.s32 $0xFFFFF086  }
0x25: {  	[simem:s6], [sflag:s4] =	dma.local [hbm:s3], $0xF7A  }
0x26: {  	[smem:$0x3F9F] =	sst s1;
	(tag) =	ssettag s2;
	_ =	strace s9  }
0x27: {  	s1 =	sld [smem:$0x3FAF]  }
0x28: {  	s2 =	sld [smem:$0x3FB0]  }
0x29: {  	s4 =	sld [smem:$0x3FB2]  }
0x2a: {  	p0 =	seq.s32 s5, $0x0;
	s5 =	sld [smem:$0x3FB3]  }
0x2b: {  	s6 =	sld [smem:$0x3FB4]  }
0x2c: {  	s7 =	sld [smem:$0x3FB5]  }
0x2d: {  	s3 =	simm.s32 $0x108;
	s8 =	sld [smem:$0x3FB6]  }
0x2e: {  	s3 =	simm.s32 @!p0 $0x1082;
	s9 =	sld [smem:$0x3FB7]  }
0x2f: {  	lr =	sadd.s32 s0, s3;
	s0 =	sld [smem:$0x3FAE]  }
0x30: {  	s3 =	sld [smem:$0x3FB1]  }
0x31: {  	[smem:$0x3FBA] =	sst s10  }
0x32: {  	s10 =	sld [smem:$0x3FB8];
	_ =	sdelay $0x3  }
0x33: {  	p0 =	seq.s32 s10, $0x1;
	s10 =	sld [smem:$0x3FBA];
	_ =	sdelay $0x3  }
0x34: {  	[smem:$0x3FBA] =	sst s10  }
0x35: {  	s10 =	sld [smem:$0x3FB9];
	_ =	sdelay $0x3  }
0x36: {  	p1 =	seq.s32 s10, $0x1;
	s10 =	sld [smem:$0x3FBA];
	_ =	sdelay $0x3  }
0x37: {  	[smem:$0x3FBA] =	sst s10  }
0x38: {  	s10 =	sld [smem:$0x3FBB]  }
0x39: {  	_ = 	snop;
	(pc) =	sbr.ind lr, $3  }
0x3a: {  	_ = 	snop  }
0x3b: {  	_ = 	snop  }
0x3c: {  	p2 =	seq.s32 s10, $0x1;
	s10 =	sld [smem:$0x3FBA]  }
0x3d: {  	_ =	shalt  }
0x3e: {  	_ =	shalt  }
0x3f: {  	_ =	shalt  }
0x40: {  	_ =	shalt  }
0x41: {  	_ =	shalt  }
0x42: {  	_ =	shalt  }
0x43: {  	_ =	shalt  }
0x44: {  	_ =	shalt  }
0x45: {  	_ =	shalt  }
0x46: {  	_ =	shalt  }
0x47: {  	_ =	shalt  }
0x48: {  	_ =	shalt  }
0x49: {  	_ =	shalt  }
0x4a: {  	_ =	shalt  }
0x4b: {  	_ =	shalt  }
0x4c: {  	_ =	shalt  }
0x4d: {  	_ =	shalt  }
0x4e: {  	_ =	shalt  }
0x4f: {  	_ =	shalt  }
0x50: {  	_ =	shalt  }
0x51: {  	_ =	shalt  }
0x52: {  	_ =	shalt  }
0x53: {  	_ =	shalt  }
0x54: {  	_ =	shalt  }
0x55: {  	_ =	shalt  }
0x56: {  	_ =	shalt  }
0x57: {  	_ =	shalt  }
0x58: {  	_ =	shalt  }
0x59: {  	_ =	shalt  }
0x5a: {  	_ =	shalt  }
0x5b: {  	_ =	shalt  }
0x5c: {  	_ =	shalt  }
0x5d: {  	_ =	shalt  }
0x5e: {  	_ =	shalt  }
0x5f: {  	_ =	shalt  }
0x60: {  	_ =	shalt  }
0x61: {  	_ =	shalt  }
0x62: {  	_ =	shalt  }
0x63: {  	_ =	shalt  }
0x64: {  	_ =	shalt  }
0x65: {  	_ =	shalt  }
0x66: {  	_ =	shalt  }
0x67: {  	_ =	shalt  }
0x68: {  	_ =	shalt  }
0x69: {  	_ =	shalt  }
0x6a: {  	_ =	shalt  }
0x6b: {  	_ =	shalt  }
0x6c: {  	_ =	shalt  }
0x6d: {  	_ =	shalt  }
0x6e: {  	_ =	shalt  }
0x6f: {  	_ =	shalt  }
0x70: {  	_ =	shalt  }
0x71: {  	_ =	shalt  }
0x72: {  	_ =	shalt  }
0x73: {  	_ =	shalt  }
0x74: {  	_ =	shalt  }
0x75: {  	_ =	shalt  }
0x76: {  	_ =	shalt  }
0x77: {  	_ =	shalt  }
0x78: {  	_ =	shalt  }
0x79: {  	_ =	shalt  }
0x7a: {  	_ =	shalt  }
0x7b: {  	_ =	shalt  }
0x7c: {  	_ =	shalt  }
0x7d: {  	_ =	shalt  }
0x7e: {  	_ =	shalt  }
0x7f: {  	_ =	shalt  }
0x80: {  	_ =	shalt  }
0x81: {  	_ =	shalt  }
0x82: {  	_ =	shalt  }
0x83: {  	_ =	shalt  }
0x84: {  	_ =	shalt  }
0x85: {  	_ =	shalt  }
0x86: {  	_ =	shalt  }
0x87: {  	_ =	shalt  }
.Lfunc_end0:
.L_simem_size_0:
called_computation_lowered:
.L_overlay_start_0:
0x88: {  	s2 =	sld [smem:$0x3FD9]  }
0x89: {  	s3 =	sld [smem:$0x3FFE];
	_ =	sdelay $0x1  }
0x8a: {  	s1 =	srdreg.scid  }
0x8b: {  	s0 =	sand.u32 $0x1, s1  }
0x8c: {  	s18 =	sshll.u32 s0, $0xA;
	s2 =	sadd.s32 s3, s2  }
0x8d: {  	s2 =	sadd.s32 s2, s18  }
0x8e: {  	[smem:$0x3FC6] =	sst s2  }
0x8f: {  	_ = 	snop  }
0x90: {  	s2 =	sld [smem:$0x3FC9]  }
0x91: {  	s19 =	sld [smem:$0x3FC8]  }
0x92: {  	s4 =	sld [smem:$0x3FD0];
	(tm) =	ssettm $0x1  }
0x93: {  	s5 =	sld [smem:$0x3FFB];
	_ =	sdelay $0x3  }
0x94: {  	_ =	strace s5  }
0x95: {  	s5 =	sld [smem:$0x3FFC];
	_ =	sdelay $0x3  }
0x96: {  	_ =	strace s5  }
0x97: {  	s5 =	sld [smem:$0x3FFD];
	_ =	sdelay $0x3  }
0x98: {  	_ =	strace s5  }
0x99: {  	_ =	strace $0x8FFFFFFF  }
0x9a: {  	s20 =	sld [smem:$0x3FDB];
	_ =	sdelay $0x1  }
0x9b: {  	s6 =	simm.s32 $_scs_section_size  }
0x9c: {  	s7 =	simm.s32 $_size__tile_overlayer_lowered;
	s8 =	simm.s32 $_tile_overlayer_lowered  }
0x9d: {  	s23 =	simm.s32 $0x1BFF;
	s22 =	sshll.u32 s8, $0x1;
	s5 =	sadd.s32 s6, s20  }
0x9e: {  	s9 =	simm.s32 $0x0;
	s21 =	sshll.u32 s7, $0x1;
	s7 =	sadd.s32 s22, s5  }
0x9f: {  	[timem:s9], [sflag:s23] =	dma.local [hbm:s7], s21  }
0xa0: {  	_ =	swait.ge [sflag:s23], s21  }
0xa1: {  	s6 =	ssub.s32 $0x0, s21;
	[sflag:s23] =	ssyncset.done $0x0  }
0xa2: {  	[sflag:s23] =	ssyncadd.s32 s6;
	_ =	sdelay $0x1  }
0xa3: {  	s24 =	simm.s32 $0x1B8B  }
0xa4: {  	_ =	swait.ge [sflag:s24], $0x1  }
0xa5: {  	[sflag:s24] =	ssyncset.done $0x0  }
0xa6: {  	s25 =	simm.s32 $0x1B8E;
	[sflag:s24] =	ssyncadd.s32 $0xFFFFFFFF  }
0xa7: {  	s26 =	simm.s32 $execute0_lowered;
	[smem:$0x3FD2] =	sst s25  }
0xa8: {  	s6 =	sshll.u32 s26, $0x1;
	_ =	strace $0x80000046;
	[dreg:$0x1] =	wrdreg $0xFFFFFFFF  }
0xa9: {  	s28 =	simm.s32 $_size_execute0_lowered;
	s5 =	sadd.s32 s5, s6;
	[dreg:$0x0] =	wrdreg $0x0  }
0xaa: {  	s6 =	sshll.u32 s28, $0x1;
	[dreg:$0x2] =	wrdreg s5  }
0xab: {  	[dreg:$0x3] =	wrdreg s6  }
0xac: {  	[dreg:$0x4] =	wrdreg $0xC0  }
0xad: {  	_ =	task [dreg:s9], $0x5FFFF  }
0xae: {  	[dreg:$0x1] =	wrdreg $0xFFFFFFFF  }
0xaf: {  	[dreg:$0x0] =	wrdreg $0x60  }
0xb0: {  	[dreg:$0x2] =	wrdreg s2  }
0xb1: {  	[dreg:$0x3] =	wrdreg s19  }
0xb2: {  	[dreg:$0x4] =	wrdreg s4  }
0xb3: {  	[dreg:$0x5] =	wrdreg $0x9  }
0xb4: {  	_ =	task.clear_ibuf [dreg:s9], $0x6FFFF;
	_ =	strace $0x90000046  }
0xb5: {  	s29 =	simm.s32 $0x9;
	_ =	strace $0x80000048  }
0xb6: {  	_ =	swait.ge [sflag:s29], $0x1  }
0xb7: {  	[sflag:s29] =	ssyncadd.s32 $0xFFFFFFFF  }
0xb8: {  	_ =	strace $0x90000048  }
0xb9: {  	_ =	sfence  }
0xba: {  	s30 =	sld [smem:$0x0];
	_ =	sdelay $0x2  }
0xbb: {  	s31 =	sshll.u32 s1, $0xD;
	s1 =	sshrl.u32 s1, $0x2  }
0xbc: {  	s3 =	sand.u32 $0x4000, s31;
	s1 =	sadd.s32 s1, s30  }
0xbd: {  	s0 =	sor.u32 s3, s0;
	s1 =	sshll.u32 s1, $0x11  }
0xbe: {  	s0 =	sor.u32 s1, s0  }
0xbf: {  	s0 =	sadd.s32 $0x8F2B, s0  }
0xc0: {  	[sflag:s0] =	ssyncadd.remote.s32 $0x1  }
0xc1: {  	_ =	sfence.sel $0xFFFF  }
0xc2: {  	[dreg:$0x0] =	wrdreg $0xFFFFFFFF;
	(pc) =	sbr.abs _section_cstart, $3  }
0xc3: {  	[dreg:$0x1] =	wrdreg $0xFFFFFFFF  }
0xc4: {  	_ =	task.clear_ibuf [dreg:s9], $0x2FFFF;
	_ =	strace $0x9FFFFFFF  }
0xc5: {  	(tm) =	ssettm $0x7FFFFFFF  }
tec
execute0_lowered:
.L_overlay_start_1:
0x0: {  	(tag) =	ssettag $0x1  }
0x1: {  	v0 =	vimm.f32 $7.750000000e+00;
	vm0 =	vcmask $0x300  }
0x2: {  	v0 =	vsel vm0, $0x3E800000, v0;
	vm0 =	vcmask $0x704  }
0x3: {  	v0 =	vsel vm0, $0x3F400000, v0;
	vm0 =	vcmask $0xB08  }
0x4: {  	v0 =	vsel vm0, $0x3FA00000, v0;
	vm0 =	vcmask $0xF0C  }
0x5: {  	vm1 =	vcmask $0x2F2C;
	v0 =	vsel vm0, $0x3FE00000, v0;
	vm0 =	vcmask $0x1310  }
0x6: {  	vm2 =	vcmask $0x3330;
	v0 =	vsel vm0, $0x40100000, v0;
	vm0 =	vcmask $0x1714  }
0x7: {  	s0 =	rddreg [dreg:$0x0];
	vm4 =	vcmask $0x3B38;
	v0 =	vsel vm0, $0x40300000, v0;
	vm0 =	vcmask $0x1B18  }
0x8: {  	s5 =	stileid.u32;
	s1 =	rddreg [dreg:$0x1];
	vm3 =	vcmask $0xB10;
	v0 =	vsel vm0, $0x40500000, v0;
	vm0 =	vcmask $0x1F1C  }
0x9: {  	s2 =	srdreg.scid;
	s8 =	simm.s32 $0x0;
	v5 =	vimm.s32 $0x0;
	s19 =	simm.s32 $0x1B400;
	v0 =	vsel vm0, $0x40700000, v0;
	vm0 =	vcmask $0x2320  }
0xa: {  	v7 =	vimm.s32 $0x1;
	s14 =	simm.s32 $0x1B500;
	s3 =	sshll.u32 s5, $0x1;
	s2 =	sand.u32 $0x1, s2;
	v1 =	vsel vm0, $0x40880000, v0;
	vm0 =	vcmask $0x2724  }
0xb: {  	v8 =	vimm.s32 $0x2;
	s4 =	sshrl.u32 s5, $0x2;
	s5 =	sshrl.u32 s5, $0x1;
	s3 =	sand.u32 $0x2, s3;
	v2 =	vsel vm0, $0x40980000, v1;
	vm0 =	vcmask $0x2B28  }
0xc: {  	v9 =	vimm.s32 $0x3;
	v10 =	vimm.s32 $0x4;
	s7 =	sshll.u32 s4, $0x1;
	s4 =	smul.u32 $0xFA0, s4;
	s3 =	sor.u32 s2, s3;
	v2 =	vsel vm0, $0x40A80000, v2  }
0xd: {  	v11 =	vimm.s32 $0x5;
	v12 =	vimm.s32 $0x6;
	s12 =	simm.s32 $0x1B480;
	s5 =	sand.u32 $0x1, s5;
	s6 =	smul.u32 $0xFA, s3;
	v2 =	vsel vm1, $0x40B80000, v2  }
0xe: {  	v13 =	vimm.s32 $0x7;
	s13 =	simm.s32 $0x1B580;
	s5 =	sor.u32 s5, s7;
	s3 =	smul.u32 $0x3E8, s3;
	v2 =	vsel vm2, $0x40C80000, v2;
	vm2 =	vcmask $0x3734  }
0xf: {  	v14 =	vimm.s32 $0x8;
	v15 =	vimm.s32 $0x9;
	[smem:$0x7FF] =	sst s8;
	s2 =	ssub.s32 $0x2, s2;
	s7 =	smul.u32 $0x3600, s5;
	v3 =	vsel vm2, $0x40D80000, v2  }
0x10: {  	v16 =	vimm.s32 $0xA;
	s26 =	sshrl.u32 s2, $0x1;
	s28 =	smul.u32 $0x3E8, s5;
	s5 =	simm.s32 $0x1B500;
	v0 =	vlaneseq.u32;
	v3 =	vsel vm4, $0x40E80000, v3  }
0x11: {  	v17 =	vimm.s32 $0xB;
	v18 =	vimm.s32 $0xC;
	s2 =	ssub.s32 s2, s26;
	s3 =	sadd.s32 s4, s3;
	s0 =	sadd.s32 s0, s7;
	v2 =	vmul.u32 $0x2, v0;
	[tilespmem:$0x1FFC0] =	vst v3  }
0x12: {  	v19 =	vimm.s32 $0xD;
	v20 =	vimm.s32 $0xE;
	v21 =	vimm.s32 $0xF;
	s30 =	sadd.s32 s6, s28;
	_ =	strace $0x80000047;
	[dreg:$0x4] =	wrdreg s0  }
0x13: {  	v22 =	vimm.s32 $0x0;
	s31 =	smax.u32 s2, $0x1;
	s29 =	sshrl.u32 s3, $0x3;
	v58 =	vand.u32 $0x3, v0;
	v1 =	vor.u32 $0x10, v0;
	[tilespmem:$0x1FFD0] =	vst v2;
	[dreg:$0x6] =	wrdreg s30  }
0x14: {  	s4 =	simm.s32 $0x1B480;
	v6 =	vshrl.u32 v0, $0x2;
	v23 =	vor.u32 $0x20, v0;
	v2 =	vor.u32 $0x1, v2;
	s0 =	sadd.s32 s1, s29;
	[dreg:$0x7] =	wrdreg s31;
	[tilespmem:$0x1FFF0] =	vst v1  }
0x15: {  	s6 =	simm.s32 $0x1B580;
	s2 =	simm.s32 $0x0;
	vm0 =	vmmov $0x1;
	vm1 =	vcmask $0x308;
	vm2 =	vcmask $0x70C;
	[tilespmem:$0x1FFE0] =	vst v2;
	[dreg:$0x5] =	wrdreg s0  }
.LBB2_1:
0x16: {  	[dreg:$0x8] =	wrdreg s2  }
0x17: {  	s0 =	simm.s32 $0x0;
	s1 =	rddreg [dreg:$0x4];
	s30 =	simm.s32 $0x2  }
0x18: {  	[tilespmem:s0], [sflag:$0x2] =	stream.linear.gather [hbm4b:s1+s0], $0x1B000, $0x38;
	[tilespmem:$0x1CA00] =	vst v63  }
0x19: {  	_ =	swait.ge [sflag:s30], $0x1B000  }
0x1a: {  	[sflag:s30] =	ssyncset.done $0x0  }
0x1b: {  	s3 =	simm.s32 $0x1B000;
	s31 =	rddreg [dreg:$0x5];
	[sflag:s30] =	ssyncadd.s32 $0xFFFE5000  }
0x1c: {  	[tilespmem:s3], [sflag:$0x2] =	stream.linear.gather [hbm4b:s31+s0], $0x3E8, $0x38;
	[tilespmem:$0x1CA00] =	vst v63  }
0x1d: {  	_ =	swait.ge [sflag:s30], $0x3E8  }
0x1e: {  	[sflag:s30] =	ssyncset.done $0x0  }
0x1f: {  	s21 =	simm.s32 $0x0;
	[sflag:s30] =	ssyncadd.s32 $0xFFFFFC18  }
.LBB2_2:
0x20: {  	s0 =	sshll.u32 s21, $0x2  }
0x21: {  	v25 =	vor.u32 s0, v58;
	_ =	sdelay $0x3  }
0x22: {  	s8 =	simm.s32 $0x1B000  }
0x23: {  	v25 =	vld.idx.msk [tilespmem:v25+s8+$0x0], $0xffff;
	_ =	sdelay $0x4  }
0x24: {  	v26 =	vnsel vm0, $0x0, v25  }
0x25: {  	(xrf2) =	vadd.scan.msk.f32 $0xffff, v26;
	v26 =	vsel vm1, $0x0, v25  }
0x26: {  	(xrf2) =	vadd.scan.msk.f32 $0xffff, v26;
	v26 =	vsel vm2, $0x0, v25  }
0x27: {  	v25 =	vsel vm3, $0x0, v25;
	(xrf2) =	vadd.scan.msk.f32 $0xffff, v26  }
0x28: {  	(xrf2) =	vadd.scan.msk.f32 $0xffff, v25;
	_ =	sdelay $0x6  }
0x29: {  	v25, _, _ =	vpop (xrf2)  }
0x2a: {  	v26, _, _ =	vpop (xrf2);
	(v2sf) =	vpush v25, $0xF  }
0x2b: {  	v25, _, _ =	vpop (xrf2);
	(v2sf) =	vpush v26, $0xF  }
0x2c: {  	(v2sf) =	vpush v25, $0xF;
	v25, _, _ =	vpop (xrf2)  }
0x2d: {  	(v2sf) =	vpush v25, $0xF;
	_ =	sdelay $0xb  }
0x2e: {  	s9 =	spop (v2sf)  }
0x2f: {  	s1 =	spop (v2sf)  }
0x30: {  	s2 =	spop (v2sf)  }
0x31: {  	s1 =	smul.f32 $1.250000000e-01, s1;
	s3 =	spop (v2sf)  }
0x32: {  	s3 =	smul.f32 $1.250000000e-01, s3;
	_ =	sdelay $0x1  }
0x33: {  	v2 =	vld [tilespmem:$0x1FFC0];
	s0 =	smul.f32 $1.250000000e-01, s9;
	s3 =	ssub.f32 s3, s1  }
0x34: {  	s2 =	smul.f32 $1.250000000e-01, s2  }
0x35: {  	s3 =	smax.f32 s3, $1.000000000e+00  }
0x36: {  	s2 =	ssub.f32 s2, s0;
	s3 =	smul.f32 $1.428571490e-01, s3  }
0x37: {  	_ = 	snop  }
0x38: {  	s2 =	smax.f32 s2, $1.000000000e+00;
	v25 =	vmul.f32 s3, v2  }
0x39: {  	s10 =	smul.f32 $1.428571490e-01, s2  }
0x3a: {  	v25 =	vadd.f32 s1, v25  }
0x3b: {  	v27 =	vmul.f32 s10, v2  }
0x3c: {  	v26 =	vmax.f32 v25, $0.0e+00  }
0x3d: {  	v27 =	vadd.f32 s0, v27;
	v26 =	vmin.f32 v26, $4.700000000e+01  }
0x3e: {  	v28 =	vtrunc.f32 v26  }
0x3f: {  	s11 =	simm.s32 $0xFFFFFFFE;
	v60 =	vld [tilespmem:$0x1FFD0];
	v30 =	vmax.f32 v27, $0.0e+00;
	v28 =	vcvt.f32.s32 v28  }
0x40: {  	v4 =	vld [tilespmem:$0x1FFE0];
	s0 =	smul.u32 $0x25, s11;
	v30 =	vmin.f32 v30, $4.700000000e+01  }
0x41: {  	v3 =	vimm.f32 $0.0e+00;
	v31 =	vtrunc.f32 v30;
	v29 =	vcvt.s32.f32 v28  }
0x42: {  	s15 =	sadd.s32 $0x6F, s0;
	vm4 =	vge.f32 v25, $-1.000000000e+00;
	vm5 =	vle.f32 v25, $4.800000000e+01;
	v25 =	vcvt.f32.s32 v31  }
0x43: {  	s1 =	sshrl.u32 s15, $0x8;
	vm4 =	vmand vm4, vm5;
	v26 =	vsub.f32 v26, v29;
	v29 =	vadd.s32 $0x1, v28  }
0x44: {  	s16 =	ssub.s32 $0x1, s1;
	vm5 =	vle.f32 v27, $4.800000000e+01;
	v33 =	vcvt.s32.f32 v25;
	vm6 =	vlt.s32 v29, $0x2F  }
0x45: {  	s2 =	sand.u32 $0xFE, s16;
	v28 =	vmul.u32 $0x900, v28;
	v29 =	vnsel vm6, $0x2F, v29;
	v31 =	vsub.f32 $1.000000000e+00, v26  }
0x46: {  	v32 =	vsel vm4, $0x3F000000, v3;
	vm4 =	vge.f32 v27, $-1.000000000e+00;
	s2 =	sshrl.u32 s2, $0x1;
	v29 =	vmul.u32 $0x900, v29  }
0x47: {  	s1 =	sadd.s32 s1, s2;
	v27 =	vsub.f32 v30, v33;
	[tilespmem:v60+s19+$0x0] =	vst.idx.msk $0xffff, v28;
	v28 =	vadd.s32 $0x1, v25;
	v31 =	vmul.f32 v31, v32  }
0x48: {  	vm4 =	vmand vm4, vm5;
	s2 =	sshrl.u32 s1, $0x2;
	v26 =	vmul.f32 v26, v32;
	vm5 =	vlt.s32 v28, $0x2F;
	[tilespmem:v4+s19+$0x0] =	vst.idx.msk $0xffff, v29  }
0x49: {  	s2 =	smul.u32 $0x7, s2;
	v25 =	vmul.u32 $0x30, v25;
	v28 =	vnsel vm5, $0x2F, v28;
	v29 =	vsub.f32 $1.000000000e+00, v27;
	[tilespmem:v60+s4+$0x0] =	vst.idx.msk $0xffff, v31  }
0x4a: {  	v28 =	vmul.u32 $0x30, v28;
	[tilespmem:v4+s4+$0x0] =	vst.idx.msk $0xffff, v26;
	v26 =	vsel vm4, $0x3F000000, v3  }
0x4b: {  	s2 =	ssub.s32 $0x1, s2;
	[tilespmem:v60+s5+$0x0] =	vst.idx.msk $0xffff, v25;
	v25 =	vmul.f32 v29, v26  }
0x4c: {  	s1 =	sand.u32 $0xFC, s1;
	s2 =	sshll.u32 s2, $0x2;
	v26 =	vmul.f32 v27, v26;
	[tilespmem:v4+s5+$0x0] =	vst.idx.msk $0xffff, v28  }
0x4d: {  	p0 =	slt.u32 s21, $0x2;
	s2 =	sand.u32 $0xFC, s2;
	[tilespmem:v60+s6+$0x0] =	vst.idx.msk $0xffff, v25;
	v25 =	vor.u32 s1, v6  }
0x4e: {  	s1 =	simm.s32 @!p0 $0x1;
	[tilespmem:v4+s6+$0x0] =	vst.idx.msk $0xffff, v26;
	v26 =	vor.u32 s2, v58  }
0x4f: {  	_ =	swait.ge @!p0 [sflag:s1], $0xA00  }
0x50: {  	[sflag:s1] =	ssyncset.done @!p0 $0x0  }
0x51: {  	[sflag:s1] =	ssyncadd.s32 @!p0 $0xFFFFF600  }
0x52: {  	v27 =	vld.idx.msk [tilespmem:v25+s19+$0x0], $0xffff  }
0x53: {  	v28 =	vld.idx.msk [tilespmem:v26+s5+$0x0], $0xffff;
	_ =	sdelay $0x4  }
0x54: {  	v27 =	vadd.s32 v27, v28  }
0x55: {  	(v2sf) =	vpush v27, $0xF  }
0x56: {  	s0 =	sadd.s32 $0x4A, s0;
	(v2sf) =	vpush v27, $0xE  }
0x57: {  	s0 =	sshrl.u32 s0, $0x8;
	(v2sf) =	vpush v27, $0xD  }
0x58: {  	s17 =	ssub.s32 $0x0, s0;
	(v2sf) =	vpush v27, $0xC  }
0x59: {  	s1 =	sand.u32 $0xFE, s17;
	(v2sf) =	vpush v27, $0xB  }
0x5a: {  	s1 =	sshrl.u32 s1, $0x1;
	(v2sf) =	vpush v27, $0xA  }
0x5b: {  	s0 =	sadd.s32 s0, s1;
	(v2sf) =	vpush v27, $0x9  }
0x5c: {  	s1 =	sshrl.u32 s0, $0x2;
	(v2sf) =	vpush v27, $0x8  }
0x5d: {  	s1 =	smul.u32 $0x7, s1;
	(v2sf) =	vpush v27, $0x7  }
0x5e: {  	(v2sf) =	vpush v27, $0x6  }
0x5f: {  	s1 =	ssub.s32 $0x0, s1;
	(v2sf) =	vpush v27, $0x5  }
0x60: {  	s0 =	sand.u32 $0xFC, s0;
	s1 =	sshll.u32 s1, $0x2;
	(v2sf) =	vpush v27, $0x4  }
0x61: {  	v28 =	vor.u32 s0, v6;
	s18 =	sand.u32 $0xFC, s1;
	(v2sf) =	vpush v27, $0x3  }
0x62: {  	v29 =	vor.u32 s18, v58  }
0x63: {  	(v2sf) =	vpush v27, $0x2  }
0x64: {  	s0 =	spop (v2sf)  }
0x65: {  	v25 =	vld.idx.msk [tilespmem:v25+s4+$0x0], $0xffff;
	(v2sf) =	vpush v27, $0x1;
	s20 =	spop (v2sf)  }
0x66: {  	v30 =	vld.idx.msk [tilespmem:v28+s19+$0x0], $0xffff;
	(v2sf) =	vpush v27, $0x0;
	s22 =	spop (v2sf)  }
0x67: {  	v27 =	vld.idx.msk [tilespmem:v29+s5+$0x0], $0xffff;
	s23 =	spop (v2sf)  }
0x68: {  	v26 =	vld.idx.msk [tilespmem:v26+s6+$0x0], $0xffff;
	s24 =	spop (v2sf)  }
0x69: {  	v28 =	vld.idx.msk [tilespmem:v28+s4+$0x0], $0xffff;
	s25 =	spop (v2sf)  }
0x6a: {  	v31 =	vld.idx.msk [tilespmem:v29+s6+$0x0], $0xffff;
	s26 =	spop (v2sf)  }
0x6b: {  	v34 =	vld [tilespmem:s0+$0x0];
	s7 =	spop (v2sf)  }
0x6c: {  	v33 =	vld [tilespmem:s20+$0x0];
	v27 =	vadd.s32 v30, v27;
	s8 =	spop (v2sf)  }
0x6d: {  	v43 =	vld [tilespmem:s23+$0x0];
	(v2sf) =	vpush v27, $0x0;
	s9 =	spop (v2sf)  }
0x6e: {  	(v2sf) =	vpush v27, $0x1;
	v45 =	vld [tilespmem:s26+$0x0];
	s10 =	spop (v2sf)  }
0x6f: {  	(v2sf) =	vpush v27, $0x2;
	s11 =	spop (v2sf);
	v47 =	vld [tilespmem:s10+$0x0]  }
0x70: {  	(v2sf) =	vpush v27, $0x3;
	s15 =	spop (v2sf);
	v2 =	vld [tilespmem:s11+$0x0]  }
0x71: {  	v44 =	vmul.f32 v26, v25;
	v40 =	vmul.f32 v31, v28;
	(v2sf) =	vpush v27, $0x4;
	v28 =	vld [tilespmem:s15+$0x0]  }
0x72: {  	(v2sf) =	vpush v27, $0x5;
	s16 =	spop (v2sf);
	v56 =	vld [tilespmem:s15+$0x10]  }
0x73: {  	v61 =	vimm.s32 $0x2;
	v49 =	vperm.xlane v44, v5;
	(v2sf) =	vpush v27, $0x6;
	v52 =	vld [tilespmem:s16+$0x0]  }
0x74: {  	v54 =	vperm.xlane v44, v61;
	v3 =	vperm.xlane v44, v9;
	(v2sf) =	vpush v27, $0x7;
	s17 =	spop (v2sf);
	v53 =	vld [tilespmem:s16+$0x10]  }
0x75: {  	v39 =	vperm.xlane v40, v5;
	v38 =	vperm.xlane v40, v7;
	(v2sf) =	vpush v27, $0x8;
	v55 =	vld [tilespmem:s16+$0x20];
	s18 =	spop (v2sf)  }
0x76: {  	v37 =	vperm.xlane v40, v9;
	v36 =	vperm.xlane v40, v10;
	(v2sf) =	vpush v27, $0x9;
	v48 =	vld [tilespmem:s18+$0x0]  }
0x77: {  	v35 =	vperm.xlane v40, v11;
	v32 =	vperm.xlane v40, v12;
	(v2sf) =	vpush v27, $0xA;
	v25 =	vld [tilespmem:s18+$0x10]  }
0x78: {  	v9 =	vperm.xlane v44, v10;
	v30 =	vperm.xlane v40, v13;
	v26 =	vld [tilespmem:s18+$0x20];
	(v2sf) =	vpush v27, $0xB  }
0x79: {  	v31 =	vld [tilespmem:s17+$0x0];
	(v2sf) =	vpush v27, $0xC;
	v57 =	vmul.f32 v28, v3;
	v56 =	vmul.f32 v56, v3  }
0x7a: {  	v50 =	vld [tilespmem:s17+$0x10];
	v28 =	vperm.xlane v40, v15;
	(v2sf) =	vpush v27, $0xD;
	v52 =	vmul.f32 v52, v54  }
0x7b: {  	v51 =	vld [tilespmem:s17+$0x20];
	v53 =	vmul.f32 v53, v54;
	v54 =	vmul.f32 v55, v54;
	(v2sf) =	vpush v27, $0xE  }
0x7c: {  	v63 =	vld [tilespmem:s15+$0x20];
	v48 =	vmul.f32 v48, v49;
	(v2sf) =	vpush v27, $0xF;
	v27 =	vperm.xlane v44, v7  }
0x7d: {  	v60 =	vld [tilespmem:s10+$0x10];
	v25 =	vmul.f32 v25, v49;
	v26 =	vmul.f32 v26, v49  }
0x7e: {  	v10 =	vld [tilespmem:s11+$0x20];
	v49 =	vmul.f32 v2, v9;
	v48 =	vadd.f32 $0.0e+00, v48;
	v62 =	vmul.f32 v31, v27  }
0x7f: {  	v61 =	vld [tilespmem:s10+$0x20];
	v25 =	vadd.f32 $0.0e+00, v25;
	v50 =	vmul.f32 v50, v27;
	v31 =	vperm.xlane v40, v14  }
0x80: {  	v46 =	vld [tilespmem:s8+$0x0];
	v27 =	vmul.f32 v51, v27;
	v26 =	vadd.f32 $0.0e+00, v26;
	v48 =	vadd.f32 v62, v48  }
0x81: {  	v2 =	vld [tilespmem:s9+$0x10];
	v25 =	vadd.f32 v50, v25;
	v50 =	vmul.f32 v63, v3;
	v63 =	vperm.xlane v44, v11  }
0x82: {  	v26 =	vadd.f32 v27, v26;
	v27 =	vld [tilespmem:s11+$0x10];
	v3 =	vperm.xlane v44, v12;
	v48 =	vadd.f32 v52, v48  }
0x83: {  	v62 =	vld [tilespmem:s9+$0x0];
	v25 =	vadd.f32 v53, v25;
	v52 =	vmul.f32 v10, v9;
	v47 =	vmul.f32 v47, v63  }
0x84: {  	v11 =	vld [tilespmem:s8+$0x20];
	v26 =	vadd.f32 v54, v26;
	v53 =	vmul.f32 v60, v63;
	v51 =	vmul.f32 v61, v63  }
0x85: {  	v12 =	vld [tilespmem:s7+$0x0];
	v60 =	vperm.xlane v44, v13;
	v13 =	vperm.xlane v44, v16  }
0x86: {  	v61 =	vld [tilespmem:s7+$0x10];
	v48 =	vadd.f32 v57, v48;
	v26 =	vadd.f32 v50, v26;
	v50 =	vmul.f32 v2, v3  }
0x87: {  	v10 =	vld [tilespmem:s8+$0x10];
	v25 =	vadd.f32 v56, v25;
	v46 =	vmul.f32 v46, v60;
	v27 =	vmul.f32 v27, v9  }
0x88: {  	v9 =	vld [tilespmem:s9+$0x20];
	v54 =	vmul.f32 v62, v3;
	v62 =	vperm.xlane v44, v14;
	v48 =	vadd.f32 v49, v48  }
0x89: {  	v63 =	vld [tilespmem:s7+$0x20];
	v26 =	vadd.f32 v52, v26;
	v52 =	vmul.f32 v11, v60;
	v11 =	vperm.xlane v44, v15  }
0x8a: {  	v2 =	vld [tilespmem:s26+$0x10];
	v27 =	vadd.f32 v27, v25;
	v25 =	vperm.xlane v40, v16;
	v47 =	vadd.f32 v47, v48  }
0x8b: {  	v29 =	vld [tilespmem:s24+$0x0];
	v26 =	vadd.f32 v51, v26;
	v48 =	vmul.f32 v12, v62;
	v51 =	vmul.f32 v61, v62  }
0x8c: {  	v14 =	vld [tilespmem:s25+$0x20];
	v45 =	vmul.f32 v45, v11;
	v61 =	vperm.xlane v44, v17;
	v27 =	vadd.f32 v53, v27  }
0x8d: {  	v12 =	vld [tilespmem:s25+$0x10];
	v47 =	vadd.f32 v54, v47;
	v49 =	vmul.f32 v9, v3;
	v3 =	vmul.f32 v10, v60  }
0x8e: {  	v9 =	vld [tilespmem:s26+$0x20];
	v54 =	vmul.f32 v63, v62;
	v63 =	vperm.xlane v44, v18;
	v27 =	vadd.f32 v50, v27  }
0x8f: {  	v10 =	vld [tilespmem:s25+$0x0];
	v50 =	vmul.f32 v2, v11;
	v49 =	vadd.f32 v49, v26;
	v26 =	vperm.xlane v40, v17  }
0x90: {  	v15 =	vld [tilespmem:s24+$0x10];
	v46 =	vadd.f32 v46, v47;
	v43 =	vmul.f32 v43, v63;
	v27 =	vadd.f32 v3, v27  }
0x91: {  	v16 =	vld [tilespmem:s24+$0x20];
	v3 =	vmul.f32 v29, v61;
	v29 =	vperm.xlane v40, v19;
	v49 =	vadd.f32 v52, v49  }
0x92: {  	v42 =	vld [tilespmem:s22+$0x0];
	v46 =	vadd.f32 v48, v46;
	v52 =	vmul.f32 v12, v13;
	v48 =	vmul.f32 v14, v13  }
0x93: {  	v60 =	vld [tilespmem:s23+$0x10];
	v14 =	vperm.xlane v44, v19;
	v51 =	vadd.f32 v51, v27;
	v27 =	vperm.xlane v40, v18  }
0x94: {  	v2 =	vld [tilespmem:s22+$0x10];
	v53 =	vmul.f32 v9, v11;
	v47 =	vmul.f32 v10, v13  }
0x95: {  	v62 =	vld [tilespmem:s23+$0x20];
	v9 =	vmul.f32 v15, v61;
	v49 =	vadd.f32 v54, v49;
	v45 =	vadd.f32 v45, v46  }
0x96: {  	v12 =	vld [tilespmem:s20+$0x10];
	v11 =	vmul.f32 v16, v61;
	v15 =	vperm.xlane v44, v20;
	v50 =	vadd.f32 v50, v51  }
0x97: {  	v10 =	vld [tilespmem:s22+$0x20];
	v44 =	vperm.xlane v44, v21;
	v49 =	vadd.f32 v53, v49;
	v45 =	vadd.f32 v47, v45  }
0x98: {  	s10 =	spop (v2sf);
	v13 =	vld [tilespmem:s20+$0x20];
	v46 =	vmul.f32 v60, v63;
	v42 =	vmul.f32 v42, v14;
	v50 =	vadd.f32 v52, v50  }
0x99: {  	v17 =	vld [tilespmem:s10+$0x0];
	v16 =	vmul.f32 v2, v14;
	v48 =	vadd.f32 v48, v49;
	v45 =	vadd.f32 v3, v45  }
0x9a: {  	s15 =	sand.u32 $0x1, s21;
	v60 =	vmul.f32 v33, v15;
	v47 =	vmul.f32 v62, v63;
	v53 =	vld [tilespmem:s0+$0x20];
	v50 =	vadd.f32 v9, v50  }
0x9b: {  	p0 =	seq.s32 s15, $0x1;
	s11 =	spop (v2sf);
	v63 =	vmul.f32 v12, v15;
	v49 =	vld [tilespmem:s0+$0x10];
	s0 =	simm.s32 $0xA00;
	v48 =	vadd.f32 v11, v48;
	v43 =	vadd.f32 v43, v45  }
0x9c: {  	s16 =	spop (v2sf);
	v19 =	vld [tilespmem:s10+$0x10];
	v18 =	vmul.f32 v10, v14;
	v3 =	vmul.f32 v34, v44;
	s0 =	simm.s32 @!p0 $0x0;
	v46 =	vadd.f32 v46, v50  }
0x9d: {  	s17 =	spop (v2sf);
	v2 =	vld [tilespmem:s11+$0x0];
	s20 =	sadd.s32 $0x30, s0;
	v45 =	vmul.f32 v13, v15;
	v47 =	vadd.f32 v47, v48;
	v42 =	vadd.f32 v42, v43  }
0x9e: {  	s4 =	spop (v2sf);
	v62 =	vld [tilespmem:s10+$0x20];
	[dreg:$0xa] =	wrdreg s0;
	v13 =	vmul.f32 v17, v39;
	v10 =	vor.u32 s20, v0;
	v61 =	vadd.f32 v16, v46  }
0x9f: {  	s0 =	spop (v2sf);
	v9 =	vld [tilespmem:s11+$0x10];
	v15 =	vadd.s32 s20, v1;
	v47 =	vadd.f32 v18, v47;
	v42 =	vadd.f32 v60, v42  }
0xa0: {  	s1 =	spop (v2sf);
	v11 =	vld [tilespmem:s11+$0x20];
	v49 =	vmul.f32 v49, v44;
	v18 =	vadd.s32 s20, v23;
	v43 =	vadd.f32 v63, v61  }
0xa1: {  	v14 =	vld [tilespmem:s16+$0x0];
	s31 =	spop (v2sf);
	v44 =	vmul.f32 v53, v44;
	v45 =	vadd.f32 v45, v47;
	v12 =	vadd.f32 v3, v42  }
0xa2: {  	v41 =	vperm.xlane v40, v8;
	s9 =	simm.s32 $0x1B600;
	v17 =	vld [tilespmem:s16+$0x10];
	v48 =	vmul.f32 v2, v38;
	s30 =	spop (v2sf);
	v49 =	vadd.f32 v49, v43  }
0xa3: {  	v16 =	vmul.f32 v19, v39;
	v19 =	vld [tilespmem:s16+$0x20];
	s29 =	spop (v2sf);
	v42 =	vadd.f32 $0.0e+00, v13;
	[tilespmem:v10+s9+$0x0] =	vst.idx.msk $0xffff, v12;
	v63 =	vadd.f32 v44, v45  }
0xa4: {  	v33 =	vperm.xlane v40, v20;
	v39 =	vmul.f32 v62, v39;
	s28 =	spop (v2sf);
	v43 =	vld [tilespmem:s17+$0x0];
	[tilespmem:v15+s9+$0x0] =	vst.idx.msk $0xffff, v49  }
0xa5: {  	v34 =	vperm.xlane v40, v21;
	v59 =	vadd.f32 $0.0e+00, v16;
	s26 =	spop (v2sf);
	v60 =	vadd.f32 v48, v42;
	v42 =	vld [tilespmem:s17+$0x10];
	[tilespmem:v18+s9+$0x0] =	vst.idx.msk $0xffff, v63  }
0xa6: {  	s18 =	sadd.s32 $0xFFFFFFD0, s20;
	v39 =	vadd.f32 $0.0e+00, v39;
	v52 =	vmul.f32 v9, v38;
	v61 =	vmul.f32 v11, v38;
	s25 =	spop (v2sf);
	v44 =	vld [tilespmem:s17+$0x20];
	s22 =	rddreg [dreg:$0x6]  }
0xa7: {  	v40 =	vadd.s32 s18, v23;
	v62 =	vmul.f32 v14, v41;
	v38 =	vor.u32 s18, v0;
	s24 =	spop (v2sf);
	v45 =	vld [tilespmem:s4+$0x0];
	[dreg:$0x9] =	wrdreg s21;
	s3 =	sadd.s32 s21, s22  }
0xa8: {  	v50 =	vmul.f32 v17, v41;
	v47 =	vadd.f32 v52, v59;
	v48 =	vadd.f32 v61, v39;
	s23 =	spop (v2sf);
	[dreg:$0xb] =	wrdreg s3  }
0xa9: {  	v39 =	vor.u32 s18, v1;
	v49 =	vmul.f32 v19, v41;
	v46 =	vadd.f32 v62, v60;
	s21 =	simm.s32 $0x0;
	s22 =	spop (v2sf);
	v41 =	vld [tilespmem:s4+$0x10]  }
.LBB2_3:
0xaa: {  	v11 =	vld [tilespmem:s4+$0x20]  }
0xab: {  	v12 =	vld [tilespmem:s0+$0x0]  }
0xac: {  	v14 =	vld [tilespmem:s0+$0x10]  }
0xad: {  	v15 =	vld [tilespmem:s0+$0x20]  }
0xae: {  	v16 =	vld [tilespmem:s1+$0x0]  }
0xaf: {  	v52 =	vld [tilespmem:s1+$0x10]  }
0xb0: {  	s2 =	smul.u32 $0x25, s21;
	v54 =	vld [tilespmem:s1+$0x20]  }
0xb1: {  	v56 =	vld [tilespmem:s31+$0x0]  }
0xb2: {  	s3 =	smov.u32 s21;
	v59 =	vld [tilespmem:s31+$0x10];
	s5 =	sadd.s32 $0x4A, s2;
	s2 =	sadd.s32 $0x6F, s2  }
0xb3: {  	v62 =	vld [tilespmem:s31+$0x20];
	v18 =	vimm.s32 $0x2;
	v1 =	vimm.s32 $0x3;
	v24 =	vimm.s32 $0x5;
	s3 =	sadd.s32 $0x3, s3;
	s2 =	sshrl.u32 s2, $0x8  }
0xb4: {  	s21 =	sadd.s32 $0x2, s21;
	v9 =	vld [tilespmem:s30+$0x0];
	v21 =	vimm.s32 $0x6;
	s4 =	sshrl.u32 s5, $0x8;
	v43 =	vmul.f32 v43, v37;
	v42 =	vmul.f32 v42, v37;
	s5 =	ssub.s32 s3, s2  }
0xb5: {  	v51 =	vld [tilespmem:s28+$0x20];
	v19 =	vimm.s32 $0x7;
	v13 =	vmul.f32 v44, v37;
	v45 =	vmul.f32 v45, v36;
	s6 =	ssub.s32 s21, s4;
	s5 =	sand.u32 $0xFE, s5  }
0xb6: {  	v4 =	vld [tilespmem:s23+$0x0];
	v47 =	vadd.f32 v50, v47;
	v41 =	vmul.f32 v41, v36;
	s0 =	sand.u32 $0xFE, s6;
	v17 =	vmul.f32 v11, v36;
	s5 =	sshrl.u32 s5, $0x1  }
0xb7: {  	v2 =	vld [tilespmem:s22+$0x0];
	v48 =	vadd.f32 v49, v48;
	v53 =	vmul.f32 v12, v35;
	v55 =	vmul.f32 v14, v35;
	s0 =	sshrl.u32 s0, $0x1;
	s7 =	sadd.s32 s2, s5  }
0xb8: {  	v49 =	vld [tilespmem:s26+$0x10];
	v57 =	vmul.f32 v15, v35;
	v61 =	vmul.f32 v16, v32;
	v42 =	vadd.f32 v42, v47;
	s0 =	sadd.s32 s4, s0;
	s10 =	sshrl.u32 s7, $0x2  }
0xb9: {  	v8 =	vimm.s32 $0xE;
	v63 =	vmul.f32 v52, v32;
	v10 =	vmul.f32 v54, v32;
	v11 =	vld [tilespmem:s30+$0x10];
	s8 =	sshrl.u32 s0, $0x2;
	s0 =	sand.u32 $0xFC, s0;
	s11 =	smul.u32 $0x7, s10  }
0xba: {  	v15 =	vld [tilespmem:s29+$0x0];
	v37 =	vadd.f32 v13, v48;
	v41 =	vadd.f32 v41, v42;
	v60 =	vor.u32 s0, v6  }
0xbb: {  	v12 =	vmul.f32 v56, v30;
	v14 =	vmul.f32 v59, v30;
	v56 =	vld [tilespmem:s29+$0x20];
	v43 =	vadd.f32 v43, v46;
	s1 =	sand.u32 $0xFC, s7;
	s0 =	ssub.s32 s3, s11  }
0xbc: {  	v13 =	vld [tilespmem:s30+$0x20];
	v36 =	vadd.f32 v17, v37;
	s2 =	smul.u32 $0x7, s8;
	v48 =	vor.u32 s1, v6;
	v37 =	vadd.f32 v55, v41;
	s0 =	sshll.u32 s0, $0x2  }
0xbd: {  	v30 =	vmul.f32 v62, v30;
	v51 =	vmul.f32 v51, v25;
	v43 =	vadd.f32 v45, v43;
	v55 =	vld [tilespmem:s29+$0x10];
	s0 =	sand.u32 $0xFC, s0  }
0xbe: {  	v35 =	vadd.f32 v57, v36;
	s2 =	ssub.s32 s21, s2;
	v36 =	vadd.f32 v63, v37;
	v63 =	vld [tilespmem:s28+$0x0];
	v50 =	vor.u32 s0, v58  }
0xbf: {  	s16 =	simm.s32 $0x1B480;
	v4 =	vmul.f32 v4, v33;
	v2 =	vmul.f32 v2, v34;
	v42 =	vadd.f32 v53, v43;
	s2 =	sshll.u32 s2, $0x2;
	v16 =	vld.idx.msk [tilespmem:v60+s19+$0x0], $0xffff  }
0xc0: {  	v7 =	vimm.s32 $0xF;
	v49 =	vmul.f32 v49, v26;
	v53 =	vmul.f32 v9, v31;
	s15 =	sand.u32 $0xFC, s2;
	v17 =	vld.idx.msk [tilespmem:v60+s16+$0x0], $0xffff  }
0xc1: {  	v20 =	vmovc v23;
	v54 =	vmul.f32 v11, v31;
	v41 =	vadd.f32 v61, v42;
	v52 =	vor.u32 s15, v58;
	v57 =	vld.idx.msk [tilespmem:v48+s19+$0x0], $0xffff  }
0xc2: {  	s17 =	simm.s32 $0x1B500;
	v23 =	vmovc v6;
	v6 =	vmovc v58;
	v59 =	vmul.f32 v15, v28;
	v15 =	vimm.s32 $0x1;
	v32 =	vadd.f32 v10, v35;
	v58 =	vld [tilespmem:s25+$0x0]  }
0xc3: {  	v31 =	vmul.f32 v13, v31;
	v37 =	vadd.f32 v12, v41;
	v35 =	vadd.f32 v14, v36;
	v60 =	vld.idx.msk [tilespmem:v50+s17+$0x0], $0xffff  }
0xc4: {  	v30 =	vadd.f32 v30, v32;
	v62 =	vmul.f32 v55, v28;
	v28 =	vmul.f32 v56, v28;
	v56 =	vld [tilespmem:s26+$0x20]  }
0xc5: {  	s18 =	simm.s32 $0x1B580;
	v11 =	vimm.s32 $0xC;
	v13 =	vimm.s32 $0xA;
	v36 =	vadd.f32 v53, v37;
	v53 =	vld [tilespmem:s26+$0x0]  }
0xc6: {  	v14 =	vimm.s32 $0x4;
	v32 =	vadd.f32 v54, v35;
	v30 =	vadd.f32 v31, v30;
	v61 =	vld.idx.msk [tilespmem:v52+s18+$0x0], $0xffff  }
0xc7: {  	v9 =	vld [tilespmem:s28+$0x10];
	v12 =	vimm.s32 $0xB;
	v55 =	vmul.f32 v63, v25;
	v45 =	vadd.f32 v59, v36  }
0xc8: {  	v46 =	vadd.f32 v62, v32;
	v47 =	vadd.f32 v28, v30;
	v59 =	vld [tilespmem:s25+$0x10];
	v44 =	vadd.s32 v57, v60  }
0xc9: {  	v31 =	vld.idx.msk [tilespmem:v52+s17+$0x0], $0xffff;
	v58 =	vmul.f32 v58, v27;
	v45 =	vadd.f32 v55, v45;
	(v2sf) =	vpush v44, $0xF  }
0xca: {  	v47 =	vadd.f32 v51, v47;
	v56 =	vmul.f32 v56, v26;
	(v2sf) =	vpush v44, $0xE  }
0xcb: {  	v53 =	vmul.f32 v53, v26;
	v54 =	vmul.f32 v61, v17;
	(v2sf) =	vpush v44, $0xD  }
0xcc: {  	v47 =	vadd.f32 v56, v47;
	v57 =	vmul.f32 v9, v25;
	v61 =	vld [tilespmem:s24+$0x0];
	(v2sf) =	vpush v44, $0xC  }
0xcd: {  	v55 =	vld [tilespmem:s23+$0x10];
	v59 =	vmul.f32 v59, v27;
	v3 =	vperm.xlane v54, v12;
	(v2sf) =	vpush v44, $0xB  }
0xce: {  	v52 =	vadd.s32 v16, v31;
	v46 =	vadd.f32 v57, v46;
	(v2sf) =	vpush v44, $0xA  }
0xcf: {  	v9 =	vimm.s32 $0x0;
	v26 =	vmovc v3;
	v3 =	vadd.f32 v53, v45;
	(v2sf) =	vpush v44, $0x9  }
0xd0: {  	v0 =	vld.idx.msk [tilespmem:v48+s16+$0x0], $0xffff;
	v17 =	vimm.s32 $0x8;
	v46 =	vadd.f32 v49, v46;
	(v2sf) =	vpush v44, $0x8  }
0xd1: {  	v49 =	vld.idx.msk [tilespmem:v50+s18+$0x0], $0xffff;
	v3 =	vadd.f32 v58, v3;
	v58 =	vmul.f32 v61, v29;
	(v2sf) =	vpush v44, $0x7  }
0xd2: {  	v55 =	vmul.f32 v55, v33;
	v43 =	vperm.xlane v54, v9;
	v53 =	vld [tilespmem:s22+$0x20];
	(v2sf) =	vpush v44, $0x6  }
0xd3: {  	v5 =	vld [tilespmem:s22+$0x10];
	v42 =	vperm.xlane v54, v15;
	v3 =	vadd.f32 v58, v3;
	(v2sf) =	vpush v44, $0x5  }
0xd4: {  	v63 =	vld [tilespmem:s24+$0x20];
	v41 =	vperm.xlane v54, v18;
	v37 =	vperm.xlane v54, v1;
	(v2sf) =	vpush v44, $0x4  }
0xd5: {  	v60 =	vld [tilespmem:s25+$0x20];
	v35 =	vperm.xlane v54, v24;
	v3 =	vadd.f32 v4, v3;
	(v2sf) =	vpush v44, $0x3  }
0xd6: {  	v62 =	vld [tilespmem:s24+$0x10];
	v10 =	vperm.xlane v54, v11;
	v0 =	vmul.f32 v49, v0;
	(v2sf) =	vpush v44, $0x2  }
0xd7: {  	v57 =	vld [tilespmem:s23+$0x20];
	v2 =	vadd.f32 v2, v3;
	v3 =	vmul.f32 v53, v34;
	(v2sf) =	vpush v44, $0x1  }
0xd8: {  	v53 =	vperm.xlane v0, v11;
	v11 =	vperm.xlane v0, v24;
	v24 =	vld [tilespmem:$0x1FFF0];
	(v2sf) =	vpush v44, $0x0;
	s5 =	spop (v2sf)  }
0xd9: {  	v16 =	vimm.s32 $0x9;
	v36 =	vperm.xlane v54, v14;
	v32 =	vperm.xlane v54, v21;
	v44 =	vld [tilespmem:s5+$0x0];
	s7 =	spop (v2sf)  }
0xda: {  	v30 =	vperm.xlane v54, v19;
	v60 =	vmul.f32 v60, v27;
	(v2sf) =	vpush v52, $0x0;
	v45 =	vld [tilespmem:s7+$0x0];
	s8 =	spop (v2sf)  }
0xdb: {  	v31 =	vperm.xlane v54, v17;
	v56 =	vadd.f32 v59, v46;
	(v2sf) =	vpush v52, $0x1;
	v46 =	vld [tilespmem:s8+$0x0];
	s15 =	spop (v2sf)  }
0xdc: {  	v27 =	vmovc v10;
	v10 =	vimm.s32 $0xD;
	v59 =	vadd.f32 v60, v47;
	(v2sf) =	vpush v52, $0x2;
	v47 =	vld [tilespmem:s15+$0x0];
	s2 =	spop (v2sf)  }
0xdd: {  	v28 =	vperm.xlane v54, v16;
	v51 =	vperm.xlane v54, v10;
	(v2sf) =	vpush v52, $0x3;
	v48 =	vld [tilespmem:s2+$0x0];
	s6 =	spop (v2sf)  }
0xde: {  	v25 =	vperm.xlane v54, v13;
	v60 =	vmul.f32 v62, v29;
	(v2sf) =	vpush v52, $0x4;
	v50 =	vld [tilespmem:s6+$0x0];
	s17 =	spop (v2sf)  }
0xdf: {  	v61 =	vperm.xlane v54, v8;
	v62 =	vmul.f32 v63, v29;
	v29 =	vmovc v51;
	(v2sf) =	vpush v52, $0x5;
	v51 =	vld [tilespmem:s17+$0x0];
	s10 =	spop (v2sf)  }
0xe0: {  	v58 =	vadd.f32 v60, v56;
	v60 =	vperm.xlane v54, v7;
	(v2sf) =	vpush v52, $0x6;
	v54 =	vld [tilespmem:s10+$0x0];
	s11 =	spop (v2sf)  }
0xe1: {  	v59 =	vadd.f32 v62, v59;
	(v2sf) =	vpush v52, $0x7;
	v56 =	vld [tilespmem:s11+$0x0];
	s22 =	spop (v2sf)  }
0xe2: {  	v57 =	vmul.f32 v57, v33;
	v4 =	vadd.f32 v55, v58;
	(v2sf) =	vpush v52, $0x8;
	v58 =	vld [tilespmem:s22+$0x0];
	s23 =	spop (v2sf)  }
0xe3: {  	v5 =	vmul.f32 v5, v34;
	v33 =	vmov v61;
	(v2sf) =	vpush v52, $0x9;
	v61 =	vld [tilespmem:s23+$0x0];
	s24 =	spop (v2sf)  }
0xe4: {  	v59 =	vadd.f32 v57, v59;
	v34 =	vmov v60;
	(v2sf) =	vpush v52, $0xA;
	v60 =	vld [tilespmem:s24+$0x0];
	s25 =	spop (v2sf)  }
0xe5: {  	v4 =	vadd.f32 v5, v4;
	(v2sf) =	vpush v52, $0xB;
	v5 =	vld [tilespmem:s25+$0x0];
	s1 =	spop (v2sf)  }
0xe6: {  	v3 =	vadd.f32 v3, v59;
	[tilespmem:v38+s9+$0x0] =	vst.idx.msk $0xffff, v2;
	(v2sf) =	vpush v52, $0xC;
	v2 =	vld [tilespmem:s1+$0x0];
	s19 =	spop (v2sf)  }
0xe7: {  	v49 =	vperm.xlane v0, v8;
	v57 =	vperm.xlane v0, v13;
	[tilespmem:v39+s9+$0x0] =	vst.idx.msk $0xffff, v4;
	(v2sf) =	vpush v52, $0xD;
	v4 =	vld [tilespmem:s19+$0x0];
	s26 =	spop (v2sf)  }
0xe8: {  	v55 =	vperm.xlane v0, v12;
	v62 =	vperm.xlane v0, v17;
	[tilespmem:v40+s9+$0x0] =	vst.idx.msk $0xffff, v3;
	(v2sf) =	vpush v52, $0xE;
	v3 =	vld [tilespmem:s26+$0x0]  }
0xe9: {  	v8 =	vperm.xlane v0, v19;
	v9 =	vperm.xlane v0, v9;
	s18 =	spop (v2sf);
	(v2sf) =	vpush v52, $0xF;
	v52 =	vld [tilespmem:s26+$0x10]  }
0xea: {  	v13 =	vperm.xlane v0, v1;
	v14 =	vperm.xlane v0, v14;
	v63 =	vld [tilespmem:s26+$0x20]  }
0xeb: {  	v15 =	vperm.xlane v0, v15;
	v39 =	vperm.xlane v0, v10;
	v10 =	vld [tilespmem:s19+$0x10]  }
0xec: {  	v38 =	vperm.xlane v0, v7;
	v59 =	vperm.xlane v0, v16;
	v12 =	vld [tilespmem:s19+$0x20]  }
0xed: {  	v7 =	vperm.xlane v0, v21;
	v16 =	vld [tilespmem:s1+$0x10];
	v3 =	vmul.f32 v3, v9  }
0xee: {  	v21 =	vlaneseq.u32;
	v0 =	vperm.xlane v0, v18;
	v18 =	vld [tilespmem:s1+$0x20];
	v17 =	vmul.f32 v52, v9  }
0xef: {  	v4 =	vmul.f32 v4, v15;
	v9 =	vmul.f32 v63, v9;
	v63 =	vld [tilespmem:s25+$0x10];
	v3 =	vadd.f32 $0.0e+00, v3  }
0xf0: {  	v19 =	vld [tilespmem:s25+$0x20];
	v2 =	vmul.f32 v2, v0;
	v10 =	vmul.f32 v10, v15;
	v17 =	vadd.f32 $0.0e+00, v17  }
0xf1: {  	v9 =	vadd.f32 $0.0e+00, v9;
	v3 =	vadd.f32 v4, v3;
	v4 =	vmul.f32 v12, v15;
	v12 =	vld [tilespmem:s24+$0x10]  }
0xf2: {  	v5 =	vmul.f32 v5, v13;
	v10 =	vadd.f32 v10, v17;
	v15 =	vmul.f32 v16, v0;
	v16 =	vld [tilespmem:s24+$0x20]  }
0xf3: {  	v0 =	vmul.f32 v18, v0;
	v4 =	vadd.f32 v4, v9;
	v2 =	vadd.f32 v2, v3;
	v3 =	vld [tilespmem:s23+$0x10]  }
0xf4: {  	v17 =	vld [tilespmem:s23+$0x20];
	v63 =	vmul.f32 v63, v13;
	v9 =	vadd.f32 v15, v10;
	v15 =	vmul.f32 v60, v14  }
0xf5: {  	v0 =	vadd.f32 v0, v4;
	v2 =	vadd.f32 v5, v2;
	v4 =	vmul.f32 v19, v13;
	v5 =	vld [tilespmem:s22+$0x10]  }
0xf6: {  	v9 =	vadd.f32 v63, v9;
	v63 =	vmul.f32 v61, v11;
	v13 =	vld [tilespmem:s22+$0x20];
	v60 =	vmul.f32 v12, v14  }
0xf7: {  	v0 =	vadd.f32 v4, v0;
	v2 =	vadd.f32 v15, v2;
	v4 =	vmul.f32 v16, v14;
	v14 =	vld [tilespmem:s11+$0x10]  }
0xf8: {  	v61 =	vld [tilespmem:s11+$0x20];
	v9 =	vadd.f32 v60, v9;
	v3 =	vmul.f32 v3, v11;
	v60 =	vmul.f32 v58, v7  }
0xf9: {  	v0 =	vadd.f32 v4, v0;
	v2 =	vadd.f32 v63, v2;
	v4 =	vmul.f32 v17, v11;
	v63 =	vld [tilespmem:s10+$0x10]  }
0xfa: {  	v16 =	vmul.f32 v56, v8;
	v17 =	vld [tilespmem:s10+$0x20];
	v3 =	vadd.f32 v3, v9;
	v5 =	vmul.f32 v5, v7  }
0xfb: {  	v0 =	vadd.f32 v4, v0;
	v2 =	vadd.f32 v60, v2;
	v4 =	vmul.f32 v13, v7;
	v7 =	vld [tilespmem:s17+$0x10]  }
0xfc: {  	v54 =	vmul.f32 v54, v62;
	v56 =	vld [tilespmem:s17+$0x20];
	v3 =	vadd.f32 v5, v3;
	v5 =	vmul.f32 v14, v8  }
0xfd: {  	v0 =	vadd.f32 v4, v0;
	v2 =	vadd.f32 v16, v2;
	v4 =	vmul.f32 v61, v8;
	v8 =	vld [tilespmem:s6+$0x10]  }
0xfe: {  	v60 =	vmul.f32 v51, v59;
	v61 =	vld [tilespmem:s6+$0x20];
	v3 =	vadd.f32 v5, v3;
	v5 =	vmul.f32 v63, v62  }
0xff: {  	v0 =	vadd.f32 v4, v0;
	v2 =	vadd.f32 v54, v2;
	v4 =	vmul.f32 v17, v62;
	v62 =	vld [tilespmem:s2+$0x10]  }
0x100: {  	v63 =	vld [tilespmem:s2+$0x20];
	v3 =	vadd.f32 v5, v3;
	v5 =	vmul.f32 v7, v59;
	v7 =	vmul.f32 v50, v57  }
0x101: {  	s20 =	sadd.s32 $0x60, s20;
	v16 =	vld [tilespmem:s15+$0x10];
	v0 =	vadd.f32 v4, v0;
	v2 =	vadd.f32 v60, v2;
	v4 =	vmul.f32 v56, v59  }
0x102: {  	v40 =	vor.u32 s20, v21;
	v17 =	vld [tilespmem:s15+$0x20];
	v3 =	vadd.f32 v5, v3;
	v5 =	vmul.f32 v8, v57  }
0x103: {  	v0 =	vadd.f32 v4, v0;
	v2 =	vadd.f32 v7, v2;
	v4 =	vmul.f32 v61, v57;
	v7 =	vld [tilespmem:s8+$0x10]  }
0x104: {  	v8 =	vmul.f32 v48, v55;
	v48 =	vld [tilespmem:s8+$0x20];
	v3 =	vadd.f32 v5, v3;
	v5 =	vmul.f32 v62, v55  }
0x105: {  	v47 =	vmul.f32 v47, v53;
	v51 =	vld [tilespmem:s7+$0x20];
	v0 =	vadd.f32 v4, v0;
	v4 =	vmul.f32 v63, v55  }
0x106: {  	v2 =	vadd.f32 v8, v2;
	v8 =	vld [tilespmem:s7+$0x10];
	v3 =	vadd.f32 v5, v3;
	v5 =	vmul.f32 v16, v53  }
0x107: {  	v54 =	vld [tilespmem:s5+$0x10];
	v50 =	vmul.f32 v46, v39;
	v0 =	vadd.f32 v4, v0;
	v4 =	vmul.f32 v17, v53  }
0x108: {  	s9 =	spop (v2sf);
	v56 =	vld [tilespmem:s18+$0x0];
	v2 =	vadd.f32 v47, v2;
	v3 =	vadd.f32 v5, v3;
	v5 =	vmul.f32 v7, v39  }
0x109: {  	s3 =	spop (v2sf);
	v52 =	vadd.s32 s20, v24;
	v55 =	vld [tilespmem:s5+$0x20];
	v0 =	vadd.f32 v4, v0;
	v4 =	vmul.f32 v48, v39  }
0x10a: {  	s16 =	spop (v2sf);
	v57 =	vld [tilespmem:s18+$0x10];
	v7 =	vmul.f32 v45, v49;
	v2 =	vadd.f32 v50, v2;
	v3 =	vadd.f32 v5, v3  }
0x10b: {  	s4 =	spop (v2sf);
	v59 =	vld [tilespmem:s18+$0x20];
	v5 =	vmul.f32 v8, v49;
	v0 =	vadd.f32 v4, v0;
	v4 =	vmul.f32 v51, v49  }
0x10c: {  	s0 =	spop (v2sf);
	v60 =	vadd.s32 s20, v20;
	v8 =	vmul.f32 v44, v38;
	v2 =	vadd.f32 v7, v2;
	v7 =	vld [tilespmem:s9+$0x0]  }
0x10d: {  	s1 =	spop (v2sf);
	v61 =	vld [tilespmem:s9+$0x10];
	v3 =	vadd.f32 v5, v3;
	v5 =	vmul.f32 v54, v38;
	v0 =	vadd.f32 v4, v0  }
0x10e: {  	s31 =	spop (v2sf);
	v62 =	vld [tilespmem:s9+$0x20];
	v2 =	vadd.f32 v8, v2;
	v4 =	vmul.f32 v55, v38;
	v8 =	vmul.f32 v56, v43  }
0x10f: {  	s30 =	spop (v2sf);
	v63 =	vld [tilespmem:s3+$0x0];
	s9 =	simm.s32 $0x1B600;
	v3 =	vadd.f32 v5, v3;
	v5 =	vmul.f32 v57, v43  }
0x110: {  	s29 =	spop (v2sf);
	v0 =	vadd.f32 v4, v0;
	[tilespmem:v40+s9+$0x0] =	vst.idx.msk $0xffff, v2;
	v2 =	vadd.f32 $0.0e+00, v8;
	v4 =	vmul.f32 v59, v43;
	v8 =	vld [tilespmem:s3+$0x10]  }
0x111: {  	p0 =	slt.u32 s21, $0x2E;
	s28 =	spop (v2sf);
	[tilespmem:v52+s9+$0x0] =	vst.idx.msk $0xffff, v3;
	v3 =	vadd.f32 $0.0e+00, v5;
	v5 =	vmul.f32 v7, v42;
	v7 =	vld [tilespmem:s3+$0x20]  }
.Ltmp0:
0x112: {  	v1 =	vimm.s32 $0x1;
	s26 =	spop (v2sf);
	v58 =	vmovc v6;
	v45 =	vld [tilespmem:s4+$0x0];
	[tilespmem:v60+s9+$0x0] =	vst.idx.msk $0xffff, v0;
	v0 =	vadd.f32 $0.0e+00, v4;
	v4 =	vmul.f32 v61, v42;
	(pc) =	sbr.rel @p0 .LBB2_3-.Ltmp0, $4  }
0x113: {  	s19 =	sadd.s32 $0xFFFFFFD0, s20;
	s25 =	spop (v2sf);
	v6 =	vmovc v23;
	v23 =	vmovc v20;
	v20 =	vlaneseq.u32;
	v44 =	vld [tilespmem:s16+$0x20];
	v2 =	vadd.f32 v5, v2;
	v5 =	vmul.f32 v62, v42  }
0x114: {  	s24 =	spop (v2sf);
	v39 =	vor.u32 s19, v24;
	v43 =	vld [tilespmem:s16+$0x0];
	v47 =	vadd.f32 v4, v3;
	v3 =	vmul.f32 v63, v41  }
0x115: {  	s23 =	spop (v2sf);
	v38 =	vor.u32 s19, v21;
	v40 =	vadd.s32 s19, v23;
	v42 =	vld [tilespmem:s16+$0x10];
	v48 =	vadd.f32 v5, v0  }
0x116: {  	s22 =	spop (v2sf);
	s19 =	simm.s32 $0x1B400;
	v50 =	vmul.f32 v8, v41;
	v46 =	vadd.f32 v3, v2;
	v49 =	vmul.f32 v7, v41;
	v41 =	vld [tilespmem:s4+$0x10]  }
0x117: {  	v0 =	vld [tilespmem:s4+$0x20]  }
0x118: {  	v2 =	vld [tilespmem:s0+$0x0]  }
0x119: {  	v3 =	vld [tilespmem:s0+$0x10]  }
0x11a: {  	v4 =	vld [tilespmem:s0+$0x20]  }
0x11b: {  	v5 =	vld [tilespmem:s1+$0x0]  }
0x11c: {  	v7 =	vld [tilespmem:s1+$0x10]  }
0x11d: {  	v8 =	vld [tilespmem:s1+$0x20]  }
0x11e: {  	v9 =	vld [tilespmem:s31+$0x0]  }
0x11f: {  	v10 =	vld [tilespmem:s31+$0x10]  }
0x120: {  	v12 =	vld [tilespmem:s31+$0x20]  }
0x121: {  	v16 =	vld [tilespmem:s30+$0x0];
	v13 =	vadd.f32 v50, v47;
	v11 =	vmul.f32 v43, v37;
	v15 =	vmul.f32 v42, v37  }
0x122: {  	v18 =	vmul.f32 v45, v36;
	v19 =	vld [tilespmem:s30+$0x10];
	v14 =	vadd.f32 v49, v48;
	v17 =	vmul.f32 v44, v37  }
0x123: {  	v60 =	vld [tilespmem:s30+$0x20];
	v11 =	vadd.f32 v11, v46;
	v13 =	vadd.f32 v15, v13;
	v15 =	vmul.f32 v41, v36  }
0x124: {  	v14 =	vadd.f32 v17, v14;
	v17 =	vld [tilespmem:s29+$0x0];
	v0 =	vmul.f32 v0, v36;
	v2 =	vmul.f32 v2, v35  }
0x125: {  	v3 =	vmul.f32 v3, v35;
	v11 =	vadd.f32 v18, v11;
	v13 =	vadd.f32 v15, v13;
	v15 =	vld [tilespmem:s29+$0x10]  }
0x126: {  	v4 =	vmul.f32 v4, v35;
	v0 =	vadd.f32 v0, v14;
	v14 =	vld [tilespmem:s29+$0x20]  }
0x127: {  	v5 =	vmul.f32 v5, v32;
	v2 =	vadd.f32 v2, v11;
	v11 =	vld [tilespmem:s28+$0x0];
	v3 =	vadd.f32 v3, v13  }
0x128: {  	v0 =	vadd.f32 v4, v0;
	v4 =	vmul.f32 v7, v32;
	v7 =	vmul.f32 v8, v32;
	v8 =	vld [tilespmem:s28+$0x10]  }
0x129: {  	v13 =	vld [tilespmem:s26+$0x20];
	v2 =	vadd.f32 v5, v2;
	v5 =	vmul.f32 v9, v30  }
0x12a: {  	v9 =	vld [tilespmem:s28+$0x20];
	v3 =	vadd.f32 v4, v3;
	v4 =	vmul.f32 v10, v30  }
0x12b: {  	v0 =	vadd.f32 v7, v0;
	v7 =	vld [tilespmem:s26+$0x0];
	v2 =	vadd.f32 v5, v2;
	v5 =	vmul.f32 v12, v30  }
0x12c: {  	v10 =	vmul.f32 v16, v31;
	v16 =	vld [tilespmem:s25+$0x10];
	v3 =	vadd.f32 v4, v3;
	v4 =	vmul.f32 v19, v31  }
0x12d: {  	v12 =	vld [tilespmem:s26+$0x10];
	v0 =	vadd.f32 v5, v0;
	v5 =	vmul.f32 v60, v31  }
0x12e: {  	v2 =	vadd.f32 v10, v2;
	v10 =	vld [tilespmem:s25+$0x0];
	v3 =	vadd.f32 v4, v3;
	v4 =	vmul.f32 v17, v28  }
0x12f: {  	v15 =	vmul.f32 v15, v28;
	v0 =	vadd.f32 v5, v0;
	v5 =	vmul.f32 v14, v28;
	v14 =	vld [tilespmem:s25+$0x20]  }
0x130: {  	v9 =	vmul.f32 v9, v25;
	v2 =	vadd.f32 v4, v2;
	v4 =	vmul.f32 v11, v25;
	v11 =	vld [tilespmem:s24+$0x0]  }
0x131: {  	v3 =	vadd.f32 v15, v3;
	v15 =	vld [tilespmem:s24+$0x20];
	v0 =	vadd.f32 v5, v0;
	v5 =	vmul.f32 v8, v25  }
0x132: {  	v8 =	vld [tilespmem:s24+$0x10];
	v2 =	vadd.f32 v4, v2;
	v4 =	vmul.f32 v7, v26  }
0x133: {  	v7 =	vld [tilespmem:s23+$0x0];
	v3 =	vadd.f32 v5, v3;
	v0 =	vadd.f32 v9, v0;
	v5 =	vmul.f32 v12, v26  }
0x134: {  	v9 =	vld [tilespmem:s23+$0x10];
	v12 =	vmul.f32 v13, v26;
	v2 =	vadd.f32 v4, v2;
	v4 =	vmul.f32 v10, v27  }
0x135: {  	v10 =	vld [tilespmem:s23+$0x20];
	v3 =	vadd.f32 v5, v3;
	v5 =	vmul.f32 v16, v27  }
0x136: {  	v13 =	vld [tilespmem:s22+$0x0];
	v0 =	vadd.f32 v12, v0;
	v12 =	vmul.f32 v14, v27;
	v2 =	vadd.f32 v4, v2  }
0x137: {  	v4 =	vld [tilespmem:s22+$0x10];
	v8 =	vmul.f32 v8, v29;
	v3 =	vadd.f32 v5, v3;
	v5 =	vmul.f32 v11, v29  }
0x138: {  	v11 =	vld [tilespmem:s22+$0x20];
	v0 =	vadd.f32 v12, v0;
	v12 =	vmul.f32 v15, v29  }
0x139: {  	v2 =	vadd.f32 v5, v2;
	v5 =	vmul.f32 v7, v33;
	v3 =	vadd.f32 v8, v3  }
0x13a: {  	v7 =	vmul.f32 v9, v33;
	v0 =	vadd.f32 v12, v0;
	v8 =	vmul.f32 v10, v33  }
0x13b: {  	v2 =	vadd.f32 v5, v2;
	v5 =	vmul.f32 v13, v34  }
0x13c: {  	v3 =	vadd.f32 v7, v3;
	v0 =	vadd.f32 v8, v0;
	v4 =	vmul.f32 v4, v34  }
0x13d: {  	v7 =	vor.u32 $0x18, v6;
	v2 =	vadd.f32 v5, v2;
	v5 =	vmul.f32 v11, v34  }
0x13e: {  	v3 =	vadd.f32 v4, v3;
	v4 =	vor.u32 $0x18, v58  }
0x13f: {  	v0 =	vadd.f32 v5, v0;
	[tilespmem:v38+s9+$0x0] =	vst.idx.msk $0xffff, v2  }
0x140: {  	[tilespmem:v39+s9+$0x0] =	vst.idx.msk $0xffff, v3  }
0x141: {  	[tilespmem:v40+s9+$0x0] =	vst.idx.msk $0xffff, v0  }
0x142: {  	v0 =	vld.idx.msk [tilespmem:v7+s19+$0x0], $0xffff  }
0x143: {  	v2 =	vld.idx.msk [tilespmem:v4+s14+$0x0], $0xffff;
	_ =	sdelay $0x4  }
0x144: {  	v0 =	vadd.s32 v0, v2  }
0x145: {  	(v2sf) =	vpush v0, $0x0;
	_ =	sdelay $0x3  }
0x146: {  	(v2sf) =	vpush v0, $0x1;
	_ =	sdelay $0x2  }
0x147: {  	(v2sf) =	vpush v0, $0x2;
	_ =	sdelay $0x2  }
0x148: {  	(v2sf) =	vpush v0, $0x3  }
0x149: {  	(v2sf) =	vpush v0, $0x4;
	_ =	sdelay $0x3  }
0x14a: {  	v3 =	vld.idx.msk [tilespmem:v4+s13+$0x0], $0xffff;
	s5 =	spop (v2sf);
	(v2sf) =	vpush v0, $0x5  }
0x14b: {  	v2 =	vld.idx.msk [tilespmem:v7+s12+$0x0], $0xffff  }
0x14c: {  	v4 =	vld [tilespmem:s5+$0x0]  }
0x14d: {  	v5 =	vld [tilespmem:s5+$0x10]  }
0x14e: {  	v7 =	vld [tilespmem:s5+$0x20];
	s6 =	spop (v2sf);
	(v2sf) =	vpush v0, $0x6  }
0x14f: {  	v8 =	vld [tilespmem:s6+$0x0]  }
0x150: {  	v61 =	vmul.f32 v3, v2;
	v9 =	vld [tilespmem:s6+$0x10]  }
0x151: {  	v10 =	vld [tilespmem:s6+$0x20];
	s7 =	spop (v2sf);
	(v2sf) =	vpush v0, $0x7  }
0x152: {  	v11 =	vperm.xlane v61, v22;
	v2 =	vld [tilespmem:s7+$0x0]  }
0x153: {  	v15 =	vperm.xlane v61, v1;
	v3 =	vld [tilespmem:s7+$0x10]  }
0x154: {  	v1 =	vimm.s32 $0x2;
	v12 =	vld [tilespmem:s7+$0x20];
	s8 =	spop (v2sf);
	(v2sf) =	vpush v0, $0x8;
	v4 =	vmul.f32 v4, v11  }
0x155: {  	v18 =	vperm.xlane v61, v1;
	v13 =	vld [tilespmem:s8+$0x0];
	s10 =	spop (v2sf);
	(v2sf) =	vpush v0, $0x9;
	v5 =	vmul.f32 v5, v11  }
0x156: {  	v14 =	vld [tilespmem:s8+$0x10];
	v7 =	vmul.f32 v7, v11;
	v8 =	vmul.f32 v8, v15;
	v4 =	vadd.f32 $0.0e+00, v4  }
0x157: {  	v1 =	vimm.s32 $0x3;
	v16 =	vld [tilespmem:s8+$0x20];
	v9 =	vmul.f32 v9, v15;
	v5 =	vadd.f32 $0.0e+00, v5  }
0x158: {  	v17 =	vld [tilespmem:s10+$0x0];
	v7 =	vadd.f32 $0.0e+00, v7;
	v2 =	vmul.f32 v2, v18;
	v4 =	vadd.f32 v8, v4  }
0x159: {  	v19 =	vld [tilespmem:s10+$0x20];
	v5 =	vadd.f32 v9, v5;
	v9 =	vmul.f32 v10, v15;
	s11 =	spop (v2sf);
	(v2sf) =	vpush v0, $0xA  }
0x15a: {  	v11 =	vld [tilespmem:s10+$0x10];
	v3 =	vmul.f32 v3, v18;
	v15 =	vperm.xlane v61, v1  }
0x15b: {  	v1 =	vimm.s32 $0x4;
	v7 =	vadd.f32 v9, v7;
	v2 =	vadd.f32 v2, v4;
	v8 =	vld [tilespmem:s11+$0x0]  }
0x15c: {  	v3 =	vadd.f32 v3, v5;
	v5 =	vmul.f32 v12, v18;
	v9 =	vmul.f32 v13, v15;
	v10 =	vld [tilespmem:s11+$0x10]  }
0x15d: {  	v13 =	vmul.f32 v14, v15;
	v14 =	vperm.xlane v61, v1;
	v62 =	vld [tilespmem:s11+$0x20];
	s15 =	spop (v2sf);
	(v2sf) =	vpush v0, $0xB  }
0x15e: {  	v1 =	vimm.s32 $0x5;
	v5 =	vadd.f32 v5, v7;
	v2 =	vadd.f32 v9, v2;
	v4 =	vld [tilespmem:s15+$0x0]  }
0x15f: {  	v3 =	vadd.f32 v13, v3;
	v9 =	vmul.f32 v16, v15;
	v13 =	vmul.f32 v17, v14;
	v12 =	vld [tilespmem:s15+$0x10]  }
0x160: {  	v11 =	vmul.f32 v11, v14;
	v16 =	vperm.xlane v61, v1;
	v18 =	vld [tilespmem:s15+$0x20];
	s16 =	spop (v2sf);
	(v2sf) =	vpush v0, $0xC  }
0x161: {  	v1 =	vimm.s32 $0x6;
	v5 =	vadd.f32 v9, v5;
	v2 =	vadd.f32 v13, v2;
	v7 =	vld [tilespmem:s16+$0x0]  }
0x162: {  	v3 =	vadd.f32 v11, v3;
	v11 =	vmul.f32 v19, v14;
	v14 =	vperm.xlane v61, v1;
	v15 =	vld [tilespmem:s16+$0x10]  }
0x163: {  	v1 =	vimm.s32 $0x7;
	v17 =	vld [tilespmem:s16+$0x20];
	s17 =	spop (v2sf);
	(v2sf) =	vpush v0, $0xD;
	v8 =	vmul.f32 v8, v16  }
0x164: {  	v5 =	vadd.f32 v11, v5;
	v9 =	vld [tilespmem:s17+$0x0];
	s18 =	spop (v2sf);
	(v2sf) =	vpush v0, $0xE;
	v10 =	vmul.f32 v10, v16  }
0x165: {  	v13 =	vld [tilespmem:s17+$0x10];
	v4 =	vmul.f32 v4, v14;
	v12 =	vmul.f32 v12, v14;
	v2 =	vadd.f32 v8, v2  }
0x166: {  	v19 =	vld [tilespmem:s17+$0x20];
	v3 =	vadd.f32 v10, v3;
	v10 =	vmul.f32 v62, v16;
	v16 =	vperm.xlane v61, v1  }
0x167: {  	v11 =	vld [tilespmem:s18+$0x10];
	v1 =	vimm.s32 $0x8;
	v2 =	vadd.f32 v4, v2;
	v4 =	vmul.f32 v18, v14  }
0x168: {  	v63 =	vld [tilespmem:s18+$0x20];
	v7 =	vmul.f32 v7, v16;
	s20 =	spop (v2sf);
	(v2sf) =	vpush v0, $0xF;
	v0 =	vadd.f32 v10, v5  }
0x169: {  	v8 =	vld [tilespmem:s18+$0x0];
	v3 =	vadd.f32 v12, v3;
	v14 =	vmul.f32 v17, v16;
	v10 =	vperm.xlane v61, v1  }
0x16a: {  	v1 =	vimm.s32 $0x9;
	v5 =	vld [tilespmem:s20+$0x0];
	v0 =	vadd.f32 v4, v0;
	v4 =	vmul.f32 v15, v16  }
0x16b: {  	v2 =	vadd.f32 v7, v2;
	v12 =	vld [tilespmem:s20+$0x10];
	v7 =	vmul.f32 v9, v10;
	v9 =	vperm.xlane v61, v1  }
0x16c: {  	s21 =	spop (v2sf);
	v15 =	vld [tilespmem:s20+$0x20];
	v1 =	vimm.s32 $0xA;
	v3 =	vadd.f32 v4, v3;
	v4 =	vmul.f32 v13, v10  }
0x16d: {  	v16 =	vld [tilespmem:s21+$0x0];
	v0 =	vadd.f32 v14, v0;
	v2 =	vadd.f32 v7, v2;
	v7 =	vmul.f32 v19, v10  }
0x16e: {  	v13 =	vld [tilespmem:s21+$0x10];
	v8 =	vmul.f32 v8, v9;
	v3 =	vadd.f32 v4, v3;
	v4 =	vmul.f32 v11, v9  }
0x16f: {  	s22 =	spop (v2sf);
	v10 =	vld [tilespmem:s21+$0x20];
	v11 =	vperm.xlane v61, v1;
	v0 =	vadd.f32 v7, v0;
	v7 =	vmul.f32 v63, v9  }
0x170: {  	v14 =	vld [tilespmem:s22+$0x0];
	v2 =	vadd.f32 v8, v2;
	v1 =	vimm.s32 $0xB;
	v3 =	vadd.f32 v4, v3  }
0x171: {  	v8 =	vld [tilespmem:s22+$0x10];
	v4 =	vmul.f32 v5, v11;
	v5 =	vperm.xlane v61, v1;
	v0 =	vadd.f32 v7, v0  }
0x172: {  	v9 =	vld [tilespmem:s22+$0x20];
	v7 =	vmul.f32 v12, v11;
	v11 =	vmul.f32 v15, v11;
	v1 =	vimm.s32 $0xC  }
0x173: {  	s23 =	spop (v2sf);
	v15 =	vperm.xlane v61, v1;
	v2 =	vadd.f32 v4, v2;
	v4 =	vmul.f32 v16, v5  }
0x174: {  	v1 =	vimm.s32 $0xD;
	v16 =	vld [tilespmem:s23+$0x10];
	v3 =	vadd.f32 v7, v3;
	v7 =	vmul.f32 v13, v5  }
0x175: {  	v12 =	vld [tilespmem:s23+$0x0];
	v0 =	vadd.f32 v11, v0;
	v2 =	vadd.f32 v4, v2;
	v4 =	vmul.f32 v10, v5  }
0x176: {  	s24 =	spop (v2sf);
	v11 =	vld [tilespmem:s23+$0x20];
	v5 =	vmul.f32 v14, v15;
	v3 =	vadd.f32 v7, v3;
	v7 =	vmul.f32 v8, v15  }
0x177: {  	v13 =	vld [tilespmem:s24+$0x10];
	v8 =	vperm.xlane v61, v1;
	v0 =	vadd.f32 v4, v0;
	v4 =	vmul.f32 v9, v15  }
0x178: {  	v10 =	vld [tilespmem:s24+$0x0];
	v1 =	vimm.s32 $0xE;
	v2 =	vadd.f32 v5, v2  }
0x179: {  	v5 =	vld [tilespmem:s24+$0x20];
	v3 =	vadd.f32 v7, v3;
	s25 =	spop (v2sf);
	v0 =	vadd.f32 v4, v0;
	v4 =	vmul.f32 v16, v8  }
0x17a: {  	v7 =	vmul.f32 v12, v8;
	v9 =	vperm.xlane v61, v1;
	v1 =	vimm.s32 $0xF;
	v12 =	vld [tilespmem:s25+$0x0]  }
0x17b: {  	v3 =	vadd.f32 v4, v3;
	v4 =	vperm.xlane v61, v1;
	v1 =	vld [tilespmem:$0x1FFF0]  }
0x17c: {  	v21 =	vimm.s32 $0xF;
	v8 =	vmul.f32 v11, v8;
	v11 =	vld [tilespmem:s25+$0x10]  }
0x17d: {  	s2 =	rddreg [dreg:$0xa];
	v17 =	vimm.s32 $0xB;
	v2 =	vadd.f32 v7, v2;
	v7 =	vmul.f32 v10, v9;
	v10 =	vld [tilespmem:s25+$0x20]  }
0x17e: {  	s26 =	sadd.s32 $0x900, s2;
	v18 =	vimm.s32 $0xC;
	v19 =	vimm.s32 $0xD;
	v0 =	vadd.f32 v8, v0  }
0x17f: {  	v8 =	vor.u32 s26, v20;
	v2 =	vadd.f32 v7, v2;
	v7 =	vmul.f32 v13, v9  }
0x180: {  	s21 =	rddreg [dreg:$0x9];
	v5 =	vmul.f32 v5, v9;
	v9 =	vmul.f32 v12, v4;
	v12 =	vor.u32 s26, v1  }
0x181: {  	s21 =	sadd.s32 $0x1, s21;
	v3 =	vadd.f32 v7, v3;
	v7 =	vmul.f32 v11, v4;
	v11 =	vor.u32 s26, v23  }
0x182: {  	p0 =	sne.s32 s21, $0xFA;
	v0 =	vadd.f32 v5, v0;
	v4 =	vmul.f32 v10, v4;
	v2 =	vadd.f32 v9, v2  }
.Ltmp1:
0x183: {  	s28 =	rddreg [dreg:$0xb];
	v14 =	vimm.s32 $0x8;
	v15 =	vimm.s32 $0x9;
	v3 =	vadd.f32 v7, v3;
	(pc) =	sbr.rel @p0 .LBB2_2-.Ltmp1, $4  }
0x184: {  	s31 =	simm.s32 $0x0;
	s0 =	smul.u32 $0x140, s28;
	v16 =	vimm.s32 $0xA;
	v20 =	vimm.s32 $0xE;
	v0 =	vadd.f32 v4, v0;
	[tilespmem:v8+s9+$0x0] =	vst.idx.msk $0xffff, v2  }
0x185: {  	s4 =	simm.s32 $0x1B480;
	s29 =	rddreg [dreg:$0x2];
	s30 =	sadd.s32 $0x1B600, s2;
	v13 =	vimm.s32 $0x7;
	v5 =	vimm.s32 $0x0;
	v10 =	vimm.s32 $0x4;
	[tilespmem:v12+s9+$0x0] =	vst.idx.msk $0xffff, v3  }
0x186: {  	s0 =	sadd.s32 s29, s0;
	s5 =	simm.s32 $0x1B500;
	s6 =	simm.s32 $0x1B580;
	v7 =	vimm.s32 $0x1;
	v9 =	vimm.s32 $0x3;
	v8 =	vimm.s32 $0x2;
	[tilespmem:v11+s9+$0x0] =	vst.idx.msk $0xffff, v0  }
0x187: {  	v12 =	vimm.s32 $0x6;
	v0 =	vlaneseq.u32;
	v11 =	vimm.s32 $0x5;
	[hbm4b:s0+s31] =	stream.linear.scatter [tilespmem:s30], [sflag:$0x1], $0xA00, $0x38;
	[tilespmem:$0x1CA00] =	vst v63  }
0x188: {  	s1 =	simm.s32 $0x1  }
0x189: {  	_ =	swait.ge [sflag:s1], $0xA00  }
0x18a: {  	[sflag:s1] =	ssyncset.done $0x0  }
0x18b: {  	[sflag:s1] =	ssyncadd.s32 $0xFFFFF600  }
0x18c: {  	_ =	swait.ge [sflag:s1], $0xA00  }
0x18d: {  	s2 =	rddreg [dreg:$0x8]  }
0x18e: {  	s0 =	rddreg [dreg:$0x7];
	s2 =	sadd.s32 $0x1, s2  }
0x18f: {  	p0 =	sne.s32 s2, s0  }
.Ltmp2:
0x190: {  	_ = 	snop;
	(pc) =	sbr.rel @p0 .LBB2_1-.Ltmp2, $3  }
0x191: {  	_ =	sdelay $0x1  }
0x192: {  	[sflag:s1] =	ssyncset.done $0x0  }
0x193: {  	[sflag:s1] =	ssyncadd.s32 $0xFFFFF600  }
0x194: {  	_ =	sfence.sel $0x180000  }
0x195: {  	[bflag:$0x0] =	sbarrier.arrive $0xFFFF  }
0x196: {  	_ =	strace $0x90000047  }
0x197: {  	s0 =	stileid.u32;
	[bflag:$0x2] =	sbarrier.arrive $0xFFFF  }
0x198: {  	p0 =	sne.s32 s0, $0x0;
	s0 =	rddreg [dreg:$0x3]  }
0x199: {  	s0 =	sadd.s32 @!p0 $0x100000, s0  }
0x19a: {  	[sflag:s0] =	ssyncadd.tile.s32 @!p0 $0x1;
	_ =	shalt  }
.Lfunc_end2:
_tile_overlayer_lowered:
.L_overlay_start_2:
0x19b: {  	(tag) =	ssettag $0x2  }
0x19c: {  	s0 =	rddreg [dreg:$0x0];
	s2 =	stileid.u32  }
0x19d: {  	s1 =	rddreg [dreg:$0x1];
	p0 =	sne.s32 s2, $0x0  }
0x19e: {  	s3 =	rddreg [dreg:$0x2];
	[bflag:$0x3] =	sbarrier.arrive $0xFFFF;
	s2 =	simm.s32 @!p0 $0x1C02  }
0x19f: {  	[timem:s3], [sflag:s2] =	dma.local @!p0 [hbm:s0], s1  }
0x1a0: {  	s0 =	simm.s32 @!p0 $0x2  }
0x1a1: {  	_ =	swait.ge @!p0 [sflag:s0], s1  }
0x1a2: {  	s1 =	ssub.s32 @!p0 $0x0, s1;
	[sflag:s0] =	ssyncset.done @!p0 $0x0  }
0x1a3: {  	[sflag:s0] =	ssyncadd.s32 @!p0 s1  }
0x1a4: {  	[bflag:$0x3] =	sbarrier.arrive $0xFFFF  }
0x1a5: {  	_ =	shalt  }

</sc_bundles>
